<compile_context>
chip_gen: v7x
topology: tpu7x:2x2x1
jax: 0.10.2.dev20260603
libtpu: 0.0.44.dev20260713+nightly
codegen_flags: <defaults>
</compile_context>

<pallas_src>
import functools

import jax
import jax.numpy as jnp
import numpy as np
from jax import lax
from jax.experimental import pallas as pl
from jax.experimental.pallas import tpu as pltpu
from jax.experimental.pallas import tpu_sc as plsc

B, S, D, H = 1, 2048, 768, 12
DH = D // H
E, K, F, C = 64, 2, 512, 128
T = B * S
HALF = DH // 2

SB = 256
NC, NS = 2, 16
NW = NC * NS
TPW = T // NW
DUMMY = E * C

_f32 = jnp.float32
_i32 = jnp.int32
_bf16 = jnp.bfloat16


def _dot(a, b):
    return jnp.dot(a, b, preferred_element_type=_f32)


_np_inv_freq = 1.0 / (10000.0 ** (np.arange(0, HALF, dtype=np.float32) / HALF))
_np_freqs = np.outer(np.arange(S, dtype=np.float32), _np_inv_freq)
_COS = np.concatenate([np.cos(_np_freqs)] * 2, axis=1).astype(np.float32)
_SIN = np.concatenate([np.sin(_np_freqs)] * 2, axis=1).astype(np.float32)


def _qkv_body(x_ref, anw_ref, wcat_ref, cos_ref, sin_ref, q_ref, k_ref, v_ref):
    xb = x_ref[...]
    hn = xb * lax.rsqrt(jnp.mean(xb * xb, axis=1, keepdims=True) + 1e-6)
    hn = hn * anw_ref[...]
    qkv = _dot(hn.astype(_bf16), wcat_ref[...])
    cosb = cos_ref[...]
    sinb = sin_ref[...]

    def rope(t):
        t1 = t[:, :HALF]
        t2 = t[:, HALF:]
        rot = jnp.concatenate([-t2, t1], axis=1)
        return t * cosb + rot * sinb

    for h in range(H):
        qh = qkv[:, h * DH:(h + 1) * DH]
        kh = qkv[:, D + h * DH:D + (h + 1) * DH]
        vh = qkv[:, 2 * D + h * DH:2 * D + (h + 1) * DH]
        q_ref[h] = rope(qh).astype(_bf16)
        k_ref[h] = rope(kh).astype(_bf16)
        v_ref[h] = vh.astype(_bf16)


def _qkv_call(x2, anw, wcat):
    hsd = jax.ShapeDtypeStruct((H, S, DH), _bf16)
    return pl.pallas_call(
        _qkv_body,
        grid=(S // SB,),
        in_specs=[
            pl.BlockSpec((SB, D), lambda s: (s, 0)),
            pl.BlockSpec((1, D), lambda s: (0, 0)),
            pl.BlockSpec((D, 3 * D), lambda s: (0, 0)),
            pl.BlockSpec((SB, DH), lambda s: (s, 0)),
            pl.BlockSpec((SB, DH), lambda s: (s, 0)),
        ],
        out_specs=[pl.BlockSpec((H, SB, DH), lambda s: (0, s, 0))] * 3,
        out_shape=[hsd, hsd, hsd],
    )(x2, anw, wcat, jnp.asarray(_COS), jnp.asarray(_SIN))


SBQ = 256


def _attn_body(q_ref, k_ref, v_ref, o_ref, *, skd, sq_off):
    sq = pl.program_id(1) + sq_off
    qb = q_ref[0]
    kb = k_ref[0]
    sc = lax.dot_general(qb, kb, (((1,), (1,)), ((), ())),
                         preferred_element_type=_f32) * (1.0 / 8.0)
    row = lax.broadcasted_iota(_i32, (SBQ, skd), 0) + sq * SBQ
    col = lax.broadcasted_iota(_i32, (SBQ, skd), 1)
    sc = jnp.where(col <= row, sc, -1e30)
    m = jnp.max(sc, axis=1, keepdims=True)
    p = jnp.exp(sc - m)
    l = jnp.sum(p, axis=1, keepdims=True)
    o_ref[0] = (_dot(p.astype(_bf16), v_ref[0]) / l).astype(_bf16)


def _attn_lo_call(q, k, v):
    skd = S // 2
    return pl.pallas_call(
        functools.partial(_attn_body, skd=skd, sq_off=0),
        grid=(H, S // SBQ // 2),
        in_specs=[
            pl.BlockSpec((1, SBQ, DH), lambda h, s: (h, s, 0)),
            pl.BlockSpec((1, skd, DH), lambda h, s: (h, 0, 0)),
            pl.BlockSpec((1, skd, DH), lambda h, s: (h, 0, 0)),
        ],
        out_specs=pl.BlockSpec((1, SBQ, DH), lambda h, s: (h, s, 0)),
        out_shape=jax.ShapeDtypeStruct((H, S, DH), _bf16),
    )(q, k, v)


def _attn_hi_call(q, k, v, o_lo):
    nqh = S // SBQ // 2

    def wrapped(o_in_ref, q_ref, k_ref, v_ref, o_ref):
        _attn_body(q_ref, k_ref, v_ref, o_ref, skd=S, sq_off=nqh)

    return pl.pallas_call(
        wrapped,
        grid=(H, nqh),
        in_specs=[
            pl.BlockSpec(memory_space=pl.ANY),
            pl.BlockSpec((1, SBQ, DH), lambda h, s: (h, s + nqh, 0)),
            pl.BlockSpec((1, S, DH), lambda h, s: (h, 0, 0)),
            pl.BlockSpec((1, S, DH), lambda h, s: (h, 0, 0)),
        ],
        out_specs=pl.BlockSpec((1, SBQ, DH), lambda h, s: (h, s + nqh, 0)),
        out_shape=jax.ShapeDtypeStruct((H, S, DH), _bf16),
        input_output_aliases={0: 0},
    )(o_lo, q, k, v)


def _attn_call(q, k, v):
    return _attn_hi_call(q, k, v, _attn_lo_call(q, k, v))


def _projrouter_body(x_ref, o_ref, wo_ref, fnw_ref, rw_ref,
                     h_ref, zn_ref, wf_ref, si_ref, cnt_ref):
    @pl.when(pl.program_id(0) == 0)
    def _():
        cnt_ref[...] = jnp.zeros_like(cnt_ref)

    acc = x_ref[...]
    for h in range(H):
        acc = acc + _dot(o_ref[h], wo_ref[h])
    h_ref[...] = acc
    zn = acc * lax.rsqrt(jnp.mean(acc * acc, axis=1, keepdims=True) + 1e-6)
    zn = zn * fnw_ref[...]
    zn_ref[...] = zn
    lg = _dot(zn, rw_ref[...])
    io = lax.broadcasted_iota(_i32, (SB, E), 1)
    l1 = jnp.max(lg, axis=1, keepdims=True)
    e0 = jnp.min(jnp.where(lg == l1, io, E), axis=1, keepdims=True)
    lg2 = jnp.where(io == e0, -jnp.inf, lg)
    l2 = jnp.max(lg2, axis=1, keepdims=True)
    e1 = jnp.min(jnp.where(lg2 == l2, io, E), axis=1, keepdims=True)
    w0 = 1.0 / (1.0 + jnp.exp(l2 - l1))
    w1 = 1.0 - w0

    a0 = (io == e0).astype(_f32)
    a1 = (io == e1).astype(_f32)
    m2 = a0 + a1
    ri = lax.broadcasted_iota(_i32, (SB, SB), 0)
    ci = lax.broadcasted_iota(_i32, (SB, SB), 1)
    ltri = (ci <= ri).astype(_f32)
    incl = _dot(ltri, m2) + cnt_ref[0:1, :]
    cnt_ref[0:1, :] = incl[SB - 1:SB, :]

    pos0 = jnp.sum(incl * a0, axis=1, keepdims=True) - 1.0
    pos1 = jnp.sum(incl * a1, axis=1, keepdims=True) - 1.0
    keep0 = pos0 < C
    keep1 = pos1 < C
    p0i = pos0.astype(_i32)
    p1i = pos1.astype(_i32)
    pc0 = jnp.minimum(p0i, C - 1)
    pc1 = jnp.minimum(p1i, C - 1)

    w0k = jnp.where(keep0, w0, 0.0)
    w1k = jnp.where(keep1, w1, 0.0)
    wf_ref[...] = jnp.concatenate([w0k, w1k, w0k, w1k], axis=1)
    si_ref[...] = jnp.concatenate(
        [jnp.where(keep0, e0 * C + p0i, DUMMY),
         jnp.where(keep1, e1 * C + p1i, DUMMY),
         e0 * C + pc0,
         e1 * C + pc1], axis=1)


def _projrouter_call(x2, o, wo_r, fnw, rw):
    sd = jax.ShapeDtypeStruct((S, D), _f32)
    return pl.pallas_call(
        _projrouter_body,
        grid=(S // SB,),
        in_specs=[
            pl.BlockSpec((SB, D), lambda s: (s, 0)),
            pl.BlockSpec((H, SB, DH), lambda s: (0, s, 0)),
            pl.BlockSpec((H, DH, D), lambda s: (0, 0, 0)),
            pl.BlockSpec((1, D), lambda s: (0, 0)),
            pl.BlockSpec((D, E), lambda s: (0, 0)),
        ],
        out_specs=([pl.BlockSpec((SB, D), lambda s: (s, 0))] * 2
                   + [pl.BlockSpec((SB, 4), lambda s: (s, 0))] * 2),
        out_shape=[sd, sd, jax.ShapeDtypeStruct((S, 4), _f32),
                   jax.ShapeDtypeStruct((S, 4), _i32)],
        scratch_shapes=[pltpu.VMEM((8, E), _f32)],
    )(x2, o, wo_r, fnw, rw)


@functools.cache
def _build_dispatch():
    mesh = plsc.VectorSubcoreMesh(core_axis_name="c", subcore_axis_name="s")

    @functools.partial(
        pl.kernel,
        mesh=mesh,
        out_type=jax.ShapeDtypeStruct((E * C + 512, D), _f32),
        scratch_types=[
            pltpu.VMEM((TPW,), _i32),
            pltpu.VMEM((TPW,), _i32),
            pltpu.VMEM((TPW, D), _f32),
            pltpu.SemaphoreType.DMA,
            pltpu.SemaphoreType.DMA,
            pltpu.SemaphoreType.DMA,
            pltpu.SemaphoreType.DMA,
            pltpu.SemaphoreType.DMA,
        ],
    )
    def disp(zn_hbm, s0_hbm, s1_hbm, out_hbm, i0_v, i1_v, rows_v,
             m1, m2, m3, m4, m5):
        wid = lax.axis_index("s") * NC + lax.axis_index("c")
        base = wid * TPW
        a = pltpu.async_copy(s0_hbm.at[pl.ds(base, TPW)], i0_v, m1)
        b = pltpu.async_copy(s1_hbm.at[pl.ds(base, TPW)], i1_v, m2)
        c = pltpu.async_copy(zn_hbm.at[pl.ds(base, TPW)], rows_v, m3)
        a.wait()
        c.wait()
        sa = pltpu.async_copy(rows_v, out_hbm.at[i0_v], m4)
        b.wait()
        sb = pltpu.async_copy(rows_v, out_hbm.at[i1_v], m5)
        sa.wait()
        sb.wait()

    return disp


def _dispatch(zn, s0, s1):
    return _build_dispatch()(zn, s0, s1)


@functools.cache
def _build_combine():
    mesh = plsc.VectorSubcoreMesh(core_axis_name="c", subcore_axis_name="s")

    @functools.partial(
        pl.kernel,
        mesh=mesh,
        out_type=[jax.ShapeDtypeStruct((T, D), _f32),
                  jax.ShapeDtypeStruct((T, D), _f32)],
        scratch_types=[
            pltpu.VMEM((TPW,), _i32),
            pltpu.VMEM((TPW,), _i32),
            pltpu.VMEM((TPW, D), _f32),
            pltpu.VMEM((TPW, D), _f32),
            pltpu.SemaphoreType.DMA,
            pltpu.SemaphoreType.DMA,
            pltpu.SemaphoreType.DMA,
            pltpu.SemaphoreType.DMA,
        ],
    )
    def comb(oute_hbm, g0_hbm, g1_hbm, y0_hbm, y1_hbm,
             i0_v, i1_v, buf0_v, buf1_v, m1, m2, m3, m4):
        wid = lax.axis_index("s") * NC + lax.axis_index("c")
        base = wid * TPW
        a = pltpu.async_copy(g0_hbm.at[pl.ds(base, TPW)], i0_v, m1)
        b = pltpu.async_copy(g1_hbm.at[pl.ds(base, TPW)], i1_v, m2)
        a.wait()
        ga = pltpu.async_copy(oute_hbm.at[i0_v], buf0_v, m3)
        b.wait()
        gb = pltpu.async_copy(oute_hbm.at[i1_v], buf1_v, m4)
        ga.wait()
        pltpu.sync_copy(buf0_v, y0_hbm.at[pl.ds(base, TPW)])
        gb.wait()
        pltpu.sync_copy(buf1_v, y1_hbm.at[pl.ds(base, TPW)])

    return comb


def _combine(oute, g0, g1):
    return _build_combine()(oute, g0, g1)


EPB = 2


def _ffn_body(in_ref, w1_ref, w3_ref, w2_ref, out_ref):
    for i in range(EPB):
        xin = in_ref[i * C:(i + 1) * C].astype(_bf16)
        g = _dot(xin, w1_ref[i].astype(_bf16))
        u = _dot(xin, w3_ref[i].astype(_bf16))
        a = g * (1.0 / (1.0 + jnp.exp(-g))) * u
        out_ref[i * C:(i + 1) * C] = _dot(a.astype(_bf16),
                                          w2_ref[i].astype(_bf16))


def _ffn_call(ein, w1, w3, w2):
    return pl.pallas_call(
        _ffn_body,
        grid=(E // EPB,),
        in_specs=[
            pl.BlockSpec((EPB * C, D), lambda e: (e, 0)),
            pl.BlockSpec((EPB, D, F), lambda e: (e, 0, 0)),
            pl.BlockSpec((EPB, D, F), lambda e: (e, 0, 0)),
            pl.BlockSpec((EPB, F, D), lambda e: (e, 0, 0)),
        ],
        out_specs=pl.BlockSpec((EPB * C, D), lambda e: (e, 0)),
        out_shape=jax.ShapeDtypeStruct((E * C, D), _f32),
    )(ein, w1, w3, w2)


def _final_body(h_ref, y0_ref, y1_ref, wf_ref, o_ref):
    o_ref[...] = (h_ref[...]
                  + wf_ref[:, 0:1] * y0_ref[...]
                  + wf_ref[:, 1:2] * y1_ref[...])


def _final_call(h2, y0, y1, wf):
    return pl.pallas_call(
        _final_body,
        grid=(S // SB,),
        in_specs=[
            pl.BlockSpec((SB, D), lambda s: (s, 0)),
            pl.BlockSpec((SB, D), lambda s: (s, 0)),
            pl.BlockSpec((SB, D), lambda s: (s, 0)),
            pl.BlockSpec((SB, 4), lambda s: (s, 0)),
        ],
        out_specs=pl.BlockSpec((SB, D), lambda s: (s, 0)),
        out_shape=jax.ShapeDtypeStruct((S, D), _f32),
    )(h2, y0, y1, wf)


def kernel(x, attn_norm_w, Wq, Wk, Wv, Wo, ffn_norm_w, router_w, W1, W3, W2):
    x2 = x.reshape(S, D)
    wcat = jnp.concatenate([Wq, Wk, Wv], axis=1).astype(_bf16)
    wo_r = Wo.reshape(H, DH, D).astype(_bf16)
    anw = attn_norm_w.reshape(1, D)
    fnw = ffn_norm_w.reshape(1, D)

    q, k, v = _qkv_call(x2, anw, wcat)
    o = _attn_call(q, k, v)
    h2, zn, wf, si = _projrouter_call(x2, o, wo_r, fnw, router_w)

    s0 = si[:, 0]
    s1 = si[:, 1]
    g0 = si[:, 2]
    g1 = si[:, 3]

    ein = _dispatch(zn, s0, s1)
    oute = _ffn_call(ein, W1, W3, W2)
    y0, y1 = _combine(oute, g0, g1)

    out = _final_call(h2, y0, y1, wf)
    return out.reshape(B, S, D)

# --- scband reference (transcript-rebuilt; emitter-appended) ---
"""Pipeline reference for scband-mo-etransformer-block-36601711296884 (READ-ONLY COPY).

The authoritative reference and input builder live on the scoring server;
editing this copy changes nothing except your own understanding.
"""

import jax, jax.numpy as jnp
import numpy as np

B, S, D, H = 1, 2048, 768, 12
DH = D // H
E, K, F, C = 64, 2, 512, 128


def _rms(x, w):
    return x * jax.lax.rsqrt(jnp.mean(x * x, axis=-1, keepdims=True) + 1e-6) * w


def _rope(q):
    # q: [B, H, S, DH]
    half = DH // 2
    inv_freq = 1.0 / (10000.0 ** (jnp.arange(0, half, dtype=jnp.float32) / half))
    t = jnp.arange(S, dtype=jnp.float32)
    freqs = jnp.outer(t, inv_freq)
    cos = jnp.cos(freqs)[None, None]
    sin = jnp.sin(freqs)[None, None]
    q1, q2 = q[..., :half], q[..., half:]
    return jnp.concatenate([q1 * cos - q2 * sin, q2 * cos + q1 * sin], axis=-1)


def _forward(x, attn_norm_w, Wq, Wk, Wv, Wo, ffn_norm_w, router_w, W1, W3, W2):
    # ---- attention sub-block: h = x + attn(attn_norm(x)) ----
    hn = _rms(x, attn_norm_w)
    def heads(t):
        return t.reshape(B, S, H, DH).transpose(0, 2, 1, 3)
    q = _rope(heads(hn @ Wq))
    k = _rope(heads(hn @ Wk))
    v = heads(hn @ Wv)
    scores = jnp.einsum('bhqd,bhkd->bhqk', q, k) / float(np.sqrt(DH))
    mask = jnp.tril(jnp.ones((S, S), dtype=bool))
    scores = jnp.where(mask[None, None], scores, -1e30)
    attn = jax.nn.softmax(scores, axis=-1)
    o = jnp.einsum('bhqk,bhkd->bhqd', attn, v).transpose(0, 2, 1, 3).reshape(B, S, D)
    h = x + o @ Wo
    # ---- MoE sub-block: h + moe(ffn_norm(h)) ----
    zn = _rms(h, ffn_norm_w)
    T = B * S
    xf = zn.reshape(T, D)
    probs = jax.nn.softmax(xf @ router_w, axis=-1)
    w_topk, idx = jax.lax.top_k(probs, K)
    w_topk = w_topk / jnp.sum(w_topk, axis=-1, keepdims=True)
    e_flat = idx.reshape(-1)            # [T*K] int32
    w_flat = w_topk.reshape(-1)         # [T*K]
    onehot = jax.nn.one_hot(e_flat, E, dtype=jnp.int32)
    pos = jnp.sum((jnp.cumsum(onehot, axis=0) - 1) * onehot, axis=1)
    keep = (pos < C).astype(xf.dtype)
    pos_c = jnp.clip(pos, 0, C - 1)
    x_rep = jnp.repeat(xf, K, axis=0)   # [T*K, D]
    # scatter-add dispatch into per-expert capacity buffers
    expert_in = jnp.zeros((E, C, D), xf.dtype).at[e_flat, pos_c].add(x_rep * keep[:, None])
    g = jnp.einsum('ecd,edf->ecf', expert_in, W1)
    u = jnp.einsum('ecd,edf->ecf', expert_in, W3)
    out_e = jnp.einsum('ecf,efd->ecd', jax.nn.silu(g) * u, W2)
    # gather combine, weighted by router probs
    y = (out_e[e_flat, pos_c] * (keep * w_flat)[:, None]).reshape(T, K, D).sum(axis=1)
    return h + y.reshape(B, S, D)


def setup_inputs(seed: int = 0) -> dict:
    key = jax.random.key(seed)
    ks = jax.random.split(key, 12)
    s = 0.02
    return {
        'x': jax.random.normal(ks[0], (B, S, D), dtype=jnp.float32),
        'attn_norm_w': jnp.ones((D,), jnp.float32),
        'Wq': jax.random.normal(ks[1], (D, D), dtype=jnp.float32) * s,
        'Wk': jax.random.normal(ks[2], (D, D), dtype=jnp.float32) * s,
        'Wv': jax.random.normal(ks[3], (D, D), dtype=jnp.float32) * s,
        'Wo': jax.random.normal(ks[4], (D, D), dtype=jnp.float32) * s,
        'ffn_norm_w': jnp.ones((D,), jnp.float32),
        'router_w': jax.random.normal(ks[5], (D, E), dtype=jnp.float32) * s,
        'W1': jax.random.normal(ks[6], (E, D, F), dtype=jnp.float32) * s,
        'W3': jax.random.normal(ks[7], (E, D, F), dtype=jnp.float32) * s,
        'W2': jax.random.normal(ks[8], (E, F, D), dtype=jnp.float32) * s,
    }


def reference(x, attn_norm_w, Wq, Wk, Wv, Wo, ffn_norm_w, router_w, W1, W3, W2):
    return _forward(x, attn_norm_w, Wq, Wk, Wv, Wo, ffn_norm_w, router_w, W1, W3, W2)

if __name__ == "__main__":
    import jax
    _d = setup_inputs()
    print(jax.jit(kernel)(*tuple(_d.values())))

</pallas_src>

<mosaic_0001>
#map = affine_map<(d0, d1) -> (0, 0)>
#map1 = affine_map<(d0, d1) -> (0)>
module attributes {stable_mosaic.version = 14 : i64} {
  func.func @disp(%arg0: i32, %arg1: i32, %arg2: memref<2048x768xf32, #tpu.memory_space<hbm>>, %arg3: memref<2048xi32, #tpu.memory_space<hbm>>, %arg4: memref<2048xi32, #tpu.memory_space<hbm>>, %arg5: memref<8704x768xf32, #tpu.memory_space<hbm>>, %arg6: memref<64xi32, #tpu.memory_space<vmem>>, %arg7: memref<64xi32, #tpu.memory_space<vmem>>, %arg8: memref<64x768xf32, #tpu.memory_space<vmem>>, %arg9: memref<!tpu.dma_semaphore, #tpu.memory_space<semaphore_mem>>, %arg10: memref<!tpu.dma_semaphore, #tpu.memory_space<semaphore_mem>>, %arg11: memref<!tpu.dma_semaphore, #tpu.memory_space<semaphore_mem>>, %arg12: memref<!tpu.dma_semaphore, #tpu.memory_space<semaphore_mem>>, %arg13: memref<!tpu.dma_semaphore, #tpu.memory_space<semaphore_mem>>) attributes {dimension_semantics = [#tpu.dimension_semantics<core_parallel>, #tpu.dimension_semantics<subcore_parallel>], iteration_bounds = array<i64: 2, 16>, scalar_prefetch = 0 : i64, scratch_operands = 8 : i64, tpu.core_type = #tpu.core_type<sc_vector_subcore>, window_params = [{transform_indices = #map}, {transform_indices = #map1}, {transform_indices = #map1}, {transform_indices = #map}]} {
    %mul3A = arith.constant 2 : i32
    %mul3A_0 = arith.muli %arg1, %mul3A : i32
    %add3A = arith.addi %mul3A_0, %arg0 : i32
    %mul3A_1 = arith.constant 64 : i32
    %mul3A_2 = arith.muli %add3A, %mul3A_1 : i32
    %dma_start3A = tpu.memref_slice %arg3[%mul3A_2] : memref<2048xi32, #tpu.memory_space<hbm>> -> memref<64xi32, #tpu.memory_space<hbm>>
    %dma_start3A_3 = tpu.memref_slice %arg3[%mul3A_2] : memref<2048xi32, #tpu.memory_space<hbm>> -> memref<64xi32, #tpu.memory_space<hbm>>
    tpu.enqueue_dma source(%dma_start3A_3 : memref<64xi32, #tpu.memory_space<hbm>>) target(%arg6 : memref<64xi32, #tpu.memory_space<vmem>>) target_semaphore(%arg9 : memref<!tpu.dma_semaphore, #tpu.memory_space<semaphore_mem>>)
    %dma_start3A_4 = tpu.memref_slice %arg4[%mul3A_2] : memref<2048xi32, #tpu.memory_space<hbm>> -> memref<64xi32, #tpu.memory_space<hbm>>
    %dma_start3A_5 = tpu.memref_slice %arg4[%mul3A_2] : memref<2048xi32, #tpu.memory_space<hbm>> -> memref<64xi32, #tpu.memory_space<hbm>>
    tpu.enqueue_dma source(%dma_start3A_5 : memref<64xi32, #tpu.memory_space<hbm>>) target(%arg7 : memref<64xi32, #tpu.memory_space<vmem>>) target_semaphore(%arg10 : memref<!tpu.dma_semaphore, #tpu.memory_space<semaphore_mem>>)
    %dma_start3A_6 = arith.constant 0 : i32
    %dma_start3A_7 = tpu.memref_slice %arg2[%mul3A_2, %dma_start3A_6] : memref<2048x768xf32, #tpu.memory_space<hbm>> -> memref<64x768xf32, #tpu.memory_space<hbm>>
    %dma_start3A_8 = arith.constant 0 : i32
    %dma_start3A_9 = tpu.memref_slice %arg2[%mul3A_2, %dma_start3A_8] : memref<2048x768xf32, #tpu.memory_space<hbm>> -> memref<64x768xf32, #tpu.memory_space<hbm>>
    tpu.enqueue_dma source(%dma_start3A_9 : memref<64x768xf32, #tpu.memory_space<hbm>>) target(%arg8 : memref<64x768xf32, #tpu.memory_space<vmem>>) target_semaphore(%arg11 : memref<!tpu.dma_semaphore, #tpu.memory_space<semaphore_mem>>)
    %dma_wait3A = tpu.memref_slice %arg3[%mul3A_2] : memref<2048xi32, #tpu.memory_space<hbm>> -> memref<64xi32, #tpu.memory_space<hbm>>
    %dma_wait3A_10 = tpu.memref_slice %arg3[%mul3A_2] : memref<2048xi32, #tpu.memory_space<hbm>> -> memref<64xi32, #tpu.memory_space<hbm>>
    tpu.wait_dma2 semaphore(%arg9 : memref<!tpu.dma_semaphore, #tpu.memory_space<semaphore_mem>>) src(%dma_wait3A_10 : memref<64xi32, #tpu.memory_space<hbm>>) dst(%arg6 : memref<64xi32, #tpu.memory_space<vmem>>)
    %dma_wait3A_11 = arith.constant 0 : i32
    %dma_wait3A_12 = tpu.memref_slice %arg2[%mul3A_2, %dma_wait3A_11] : memref<2048x768xf32, #tpu.memory_space<hbm>> -> memref<64x768xf32, #tpu.memory_space<hbm>>
    %dma_wait3A_13 = arith.constant 0 : i32
    %dma_wait3A_14 = tpu.memref_slice %arg2[%mul3A_2, %dma_wait3A_13] : memref<2048x768xf32, #tpu.memory_space<hbm>> -> memref<64x768xf32, #tpu.memory_space<hbm>>
    tpu.wait_dma2 semaphore(%arg11 : memref<!tpu.dma_semaphore, #tpu.memory_space<semaphore_mem>>) src(%dma_wait3A_14 : memref<64x768xf32, #tpu.memory_space<hbm>>) dst(%arg8 : memref<64x768xf32, #tpu.memory_space<vmem>>)
    %dma_start3A_15 = arith.constant 0 : i32
    %dma_start3A_16 = arith.constant 0 : i32
    %dma_start3A_17 = tpu.memref_slice %arg5[%dma_start3A_15, %dma_start3A_16] : memref<8704x768xf32, #tpu.memory_space<hbm>> -> memref<8704x768xf32, #tpu.memory_space<hbm>>
    tpu.enqueue_indirect_dma source(%arg8 : memref<64x768xf32, #tpu.memory_space<vmem>>) target(%dma_start3A_17 : memref<8704x768xf32, #tpu.memory_space<hbm>>) offsets(%arg6 : memref<64xi32, #tpu.memory_space<vmem>>) semaphore(%arg12 : memref<!tpu.dma_semaphore, #tpu.memory_space<semaphore_mem>>)
    %dma_wait3A_18 = tpu.memref_slice %arg4[%mul3A_2] : memref<2048xi32, #tpu.memory_space<hbm>> -> memref<64xi32, #tpu.memory_space<hbm>>
    %dma_wait3A_19 = tpu.memref_slice %arg4[%mul3A_2] : memref<2048xi32, #tpu.memory_space<hbm>> -> memref<64xi32, #tpu.memory_space<hbm>>
    tpu.wait_dma2 semaphore(%arg10 : memref<!tpu.dma_semaphore, #tpu.memory_space<semaphore_mem>>) src(%dma_wait3A_19 : memref<64xi32, #tpu.memory_space<hbm>>) dst(%arg7 : memref<64xi32, #tpu.memory_space<vmem>>)
    %dma_start3A_20 = arith.constant 0 : i32
    %dma_start3A_21 = arith.constant 0 : i32
    %dma_start3A_22 = tpu.memref_slice %arg5[%dma_start3A_20, %dma_start3A_21] : memref<8704x768xf32, #tpu.memory_space<hbm>> -> memref<8704x768xf32, #tpu.memory_space<hbm>>
    tpu.enqueue_indirect_dma source(%arg8 : memref<64x768xf32, #tpu.memory_space<vmem>>) target(%dma_start3A_22 : memref<8704x768xf32, #tpu.memory_space<hbm>>) offsets(%arg7 : memref<64xi32, #tpu.memory_space<vmem>>) semaphore(%arg13 : memref<!tpu.dma_semaphore, #tpu.memory_space<semaphore_mem>>)
    %dma_wait3A_23 = arith.constant 0 : i32
    %dma_wait3A_24 = arith.constant 0 : i32
    %dma_wait3A_25 = tpu.memref_slice %arg5[%dma_wait3A_23, %dma_wait3A_24] : memref<8704x768xf32, #tpu.memory_space<hbm>> -> memref<8704x768xf32, #tpu.memory_space<hbm>>
    tpu.wait_indirect_dma semaphore(%arg12 : memref<!tpu.dma_semaphore, #tpu.memory_space<semaphore_mem>>) src(%arg8 : memref<64x768xf32, #tpu.memory_space<vmem>>) dst(%dma_wait3A_25 : memref<8704x768xf32, #tpu.memory_space<hbm>>)
    %dma_wait3A_26 = arith.constant 0 : i32
    %dma_wait3A_27 = arith.constant 0 : i32
    %dma_wait3A_28 = tpu.memref_slice %arg5[%dma_wait3A_26, %dma_wait3A_27] : memref<8704x768xf32, #tpu.memory_space<hbm>> -> memref<8704x768xf32, #tpu.memory_space<hbm>>
    tpu.wait_indirect_dma semaphore(%arg13 : memref<!tpu.dma_semaphore, #tpu.memory_space<semaphore_mem>>) src(%arg8 : memref<64x768xf32, #tpu.memory_space<vmem>>) dst(%dma_wait3A_28 : memref<8704x768xf32, #tpu.memory_space<hbm>>)
    return
  }
}

#map = affine_map<(d0, d1) -> (0, 0)>
#map1 = affine_map<(d0, d1) -> (0)>
module attributes {stable_mosaic.version = 14 : i64} {
  func.func @comb(%arg0: i32, %arg1: i32, %arg2: memref<8192x768xf32, #tpu.memory_space<hbm>>, %arg3: memref<2048xi32, #tpu.memory_space<hbm>>, %arg4: memref<2048xi32, #tpu.memory_space<hbm>>, %arg5: memref<2048x768xf32, #tpu.memory_space<hbm>>, %arg6: memref<2048x768xf32, #tpu.memory_space<hbm>>, %arg7: memref<64xi32, #tpu.memory_space<vmem>>, %arg8: memref<64xi32, #tpu.memory_space<vmem>>, %arg9: memref<64x768xf32, #tpu.memory_space<vmem>>, %arg10: memref<64x768xf32, #tpu.memory_space<vmem>>, %arg11: memref<!tpu.dma_semaphore, #tpu.memory_space<semaphore_mem>>, %arg12: memref<!tpu.dma_semaphore, #tpu.memory_space<semaphore_mem>>, %arg13: memref<!tpu.dma_semaphore, #tpu.memory_space<semaphore_mem>>, %arg14: memref<!tpu.dma_semaphore, #tpu.memory_space<semaphore_mem>>) attributes {dimension_semantics = [#tpu.dimension_semantics<core_parallel>, #tpu.dimension_semantics<subcore_parallel>], iteration_bounds = array<i64: 2, 16>, scalar_prefetch = 0 : i64, scratch_operands = 8 : i64, tpu.core_type = #tpu.core_type<sc_vector_subcore>, window_params = [{transform_indices = #map}, {transform_indices = #map1}, {transform_indices = #map1}, {transform_indices = #map}, {transform_indices = #map}]} {
    %mul3A = arith.constant 2 : i32
    %mul3A_0 = arith.muli %arg1, %mul3A : i32
    %add3A = arith.addi %mul3A_0, %arg0 : i32
    %mul3A_1 = arith.constant 64 : i32
    %mul3A_2 = arith.muli %add3A, %mul3A_1 : i32
    %dma_start3A = tpu.memref_slice %arg3[%mul3A_2] : memref<2048xi32, #tpu.memory_space<hbm>> -> memref<64xi32, #tpu.memory_space<hbm>>
    %dma_start3A_3 = tpu.memref_slice %arg3[%mul3A_2] : memref<2048xi32, #tpu.memory_space<hbm>> -> memref<64xi32, #tpu.memory_space<hbm>>
    tpu.enqueue_dma source(%dma_start3A_3 : memref<64xi32, #tpu.memory_space<hbm>>) target(%arg7 : memref<64xi32, #tpu.memory_space<vmem>>) target_semaphore(%arg11 : memref<!tpu.dma_semaphore, #tpu.memory_space<semaphore_mem>>)
    %dma_start3A_4 = tpu.memref_slice %arg4[%mul3A_2] : memref<2048xi32, #tpu.memory_space<hbm>> -> memref<64xi32, #tpu.memory_space<hbm>>
    %dma_start3A_5 = tpu.memref_slice %arg4[%mul3A_2] : memref<2048xi32, #tpu.memory_space<hbm>> -> memref<64xi32, #tpu.memory_space<hbm>>
    tpu.enqueue_dma source(%dma_start3A_5 : memref<64xi32, #tpu.memory_space<hbm>>) target(%arg8 : memref<64xi32, #tpu.memory_space<vmem>>) target_semaphore(%arg12 : memref<!tpu.dma_semaphore, #tpu.memory_space<semaphore_mem>>)
    %dma_wait3A = tpu.memref_slice %arg3[%mul3A_2] : memref<2048xi32, #tpu.memory_space<hbm>> -> memref<64xi32, #tpu.memory_space<hbm>>
    %dma_wait3A_6 = tpu.memref_slice %arg3[%mul3A_2] : memref<2048xi32, #tpu.memory_space<hbm>> -> memref<64xi32, #tpu.memory_space<hbm>>
    tpu.wait_dma2 semaphore(%arg11 : memref<!tpu.dma_semaphore, #tpu.memory_space<semaphore_mem>>) src(%dma_wait3A_6 : memref<64xi32, #tpu.memory_space<hbm>>) dst(%arg7 : memref<64xi32, #tpu.memory_space<vmem>>)
    %dma_start3A_7 = arith.constant 0 : i32
    %dma_start3A_8 = arith.constant 0 : i32
    %dma_start3A_9 = tpu.memref_slice %arg2[%dma_start3A_7, %dma_start3A_8] : memref<8192x768xf32, #tpu.memory_space<hbm>> -> memref<8192x768xf32, #tpu.memory_space<hbm>>
    tpu.enqueue_indirect_dma source(%dma_start3A_9 : memref<8192x768xf32, #tpu.memory_space<hbm>>) target(%arg9 : memref<64x768xf32, #tpu.memory_space<vmem>>) offsets(%arg7 : memref<64xi32, #tpu.memory_space<vmem>>) semaphore(%arg13 : memref<!tpu.dma_semaphore, #tpu.memory_space<semaphore_mem>>)
    %dma_wait3A_10 = tpu.memref_slice %arg4[%mul3A_2] : memref<2048xi32, #tpu.memory_space<hbm>> -> memref<64xi32, #tpu.memory_space<hbm>>
    %dma_wait3A_11 = tpu.memref_slice %arg4[%mul3A_2] : memref<2048xi32, #tpu.memory_space<hbm>> -> memref<64xi32, #tpu.memory_space<hbm>>
    tpu.wait_dma2 semaphore(%arg12 : memref<!tpu.dma_semaphore, #tpu.memory_space<semaphore_mem>>) src(%dma_wait3A_11 : memref<64xi32, #tpu.memory_space<hbm>>) dst(%arg8 : memref<64xi32, #tpu.memory_space<vmem>>)
    %dma_start3A_12 = arith.constant 0 : i32
    %dma_start3A_13 = arith.constant 0 : i32
    %dma_start3A_14 = tpu.memref_slice %arg2[%dma_start3A_12, %dma_start3A_13] : memref<8192x768xf32, #tpu.memory_space<hbm>> -> memref<8192x768xf32, #tpu.memory_space<hbm>>
    tpu.enqueue_indirect_dma source(%dma_start3A_14 : memref<8192x768xf32, #tpu.memory_space<hbm>>) target(%arg10 : memref<64x768xf32, #tpu.memory_space<vmem>>) offsets(%arg8 : memref<64xi32, #tpu.memory_space<vmem>>) semaphore(%arg14 : memref<!tpu.dma_semaphore, #tpu.memory_space<semaphore_mem>>)
    %dma_wait3A_15 = arith.constant 0 : i32
    %dma_wait3A_16 = arith.constant 0 : i32
    %dma_wait3A_17 = tpu.memref_slice %arg2[%dma_wait3A_15, %dma_wait3A_16] : memref<8192x768xf32, #tpu.memory_space<hbm>> -> memref<8192x768xf32, #tpu.memory_space<hbm>>
    tpu.wait_indirect_dma semaphore(%arg13 : memref<!tpu.dma_semaphore, #tpu.memory_space<semaphore_mem>>) src(%dma_wait3A_17 : memref<8192x768xf32, #tpu.memory_space<hbm>>) dst(%arg9 : memref<64x768xf32, #tpu.memory_space<vmem>>)
    "tpu.region"() ({
      %run_scoped3A = tpu.sem_alloc : memref<!tpu.dma_semaphore, #tpu.memory_space<semaphore_mem>>
      %dma_start3A_21 = arith.constant 0 : i32
      %dma_start3A_22 = tpu.memref_slice %arg5[%mul3A_2, %dma_start3A_21] : memref<2048x768xf32, #tpu.memory_space<hbm>> -> memref<64x768xf32, #tpu.memory_space<hbm>>
      %dma_start3A_23 = arith.constant 0 : i32
      %dma_start3A_24 = tpu.memref_slice %arg5[%mul3A_2, %dma_start3A_23] : memref<2048x768xf32, #tpu.memory_space<hbm>> -> memref<64x768xf32, #tpu.memory_space<hbm>>
      tpu.enqueue_dma source(%arg9 : memref<64x768xf32, #tpu.memory_space<vmem>>) target(%dma_start3A_24 : memref<64x768xf32, #tpu.memory_space<hbm>>) target_semaphore(%run_scoped3A : memref<!tpu.dma_semaphore, #tpu.memory_space<semaphore_mem>>)
      %dma_wait3A_25 = arith.constant 0 : i32
      %dma_wait3A_26 = tpu.memref_slice %arg5[%mul3A_2, %dma_wait3A_25] : memref<2048x768xf32, #tpu.memory_space<hbm>> -> memref<64x768xf32, #tpu.memory_space<hbm>>
      %dma_wait3A_27 = arith.constant 0 : i32
      %dma_wait3A_28 = tpu.memref_slice %arg5[%mul3A_2, %dma_wait3A_27] : memref<2048x768xf32, #tpu.memory_space<hbm>> -> memref<64x768xf32, #tpu.memory_space<hbm>>
      tpu.wait_dma2 semaphore(%run_scoped3A : memref<!tpu.dma_semaphore, #tpu.memory_space<semaphore_mem>>) src(%arg9 : memref<64x768xf32, #tpu.memory_space<vmem>>) dst(%dma_wait3A_28 : memref<64x768xf32, #tpu.memory_space<hbm>>)
      tpu.yield
    }) : () -> ()
    %dma_wait3A_18 = arith.constant 0 : i32
    %dma_wait3A_19 = arith.constant 0 : i32
    %dma_wait3A_20 = tpu.memref_slice %arg2[%dma_wait3A_18, %dma_wait3A_19] : memref<8192x768xf32, #tpu.memory_space<hbm>> -> memref<8192x768xf32, #tpu.memory_space<hbm>>
    tpu.wait_indirect_dma semaphore(%arg14 : memref<!tpu.dma_semaphore, #tpu.memory_space<semaphore_mem>>) src(%dma_wait3A_20 : memref<8192x768xf32, #tpu.memory_space<hbm>>) dst(%arg10 : memref<64x768xf32, #tpu.memory_space<vmem>>)
    "tpu.region"() ({
      %run_scoped3A = tpu.sem_alloc : memref<!tpu.dma_semaphore, #tpu.memory_space<semaphore_mem>>
      %dma_start3A_21 = arith.constant 0 : i32
      %dma_start3A_22 = tpu.memref_slice %arg6[%mul3A_2, %dma_start3A_21] : memref<2048x768xf32, #tpu.memory_space<hbm>> -> memref<64x768xf32, #tpu.memory_space<hbm>>
      %dma_start3A_23 = arith.constant 0 : i32
      %dma_start3A_24 = tpu.memref_slice %arg6[%mul3A_2, %dma_start3A_23] : memref<2048x768xf32, #tpu.memory_space<hbm>> -> memref<64x768xf32, #tpu.memory_space<hbm>>
      tpu.enqueue_dma source(%arg10 : memref<64x768xf32, #tpu.memory_space<vmem>>) target(%dma_start3A_24 : memref<64x768xf32, #tpu.memory_space<hbm>>) target_semaphore(%run_scoped3A : memref<!tpu.dma_semaphore, #tpu.memory_space<semaphore_mem>>)
      %dma_wait3A_25 = arith.constant 0 : i32
      %dma_wait3A_26 = tpu.memref_slice %arg6[%mul3A_2, %dma_wait3A_25] : memref<2048x768xf32, #tpu.memory_space<hbm>> -> memref<64x768xf32, #tpu.memory_space<hbm>>
      %dma_wait3A_27 = arith.constant 0 : i32
      %dma_wait3A_28 = tpu.memref_slice %arg6[%mul3A_2, %dma_wait3A_27] : memref<2048x768xf32, #tpu.memory_space<hbm>> -> memref<64x768xf32, #tpu.memory_space<hbm>>
      tpu.wait_dma2 semaphore(%run_scoped3A : memref<!tpu.dma_semaphore, #tpu.memory_space<semaphore_mem>>) src(%arg10 : memref<64x768xf32, #tpu.memory_space<vmem>>) dst(%dma_wait3A_28 : memref<64x768xf32, #tpu.memory_space<hbm>>)
      tpu.yield
    }) : () -> ()
    return
  }
}

module attributes {stable_mosaic.version = 14 : i64} {
  func.func @_qkv_body(%arg0: i32, %arg1: memref<256x768xf32, #tpu.memory_space<vmem>>, %arg2: memref<1x768xf32, #tpu.memory_space<vmem>>, %arg3: memref<768x2304xbf16, #tpu.memory_space<vmem>>, %arg4: memref<256x64xf32, #tpu.memory_space<vmem>>, %arg5: memref<256x64xf32, #tpu.memory_space<vmem>>, %arg6: memref<12x256x64xbf16, #tpu.memory_space<vmem>>, %arg7: memref<12x256x64xbf16, #tpu.memory_space<vmem>>, %arg8: memref<12x256x64xbf16, #tpu.memory_space<vmem>>) attributes {dimension_semantics = [#tpu.dimension_semantics<arbitrary>], iteration_bounds = array<i64: 8>, scalar_prefetch = 0 : i64, scratch_operands = 0 : i64, tpu.core_type = #tpu.core_type<tc>, window_params = [{transform_indices = @transform_0, window_bounds = array<i64: 256, 768>}, {pipeline_mode = #tpu.pipeline_mode<synchronous>, transform_indices = @transform_1, window_bounds = array<i64: 1, 768>}, {pipeline_mode = #tpu.pipeline_mode<synchronous>, transform_indices = @transform_2, window_bounds = array<i64: 768, 2304>}, {transform_indices = @transform_3, window_bounds = array<i64: 256, 64>}, {transform_indices = @transform_4, window_bounds = array<i64: 256, 64>}, {transform_indices = @transform_5, window_bounds = array<i64: 12, 256, 64>}, {transform_indices = @transform_6, window_bounds = array<i64: 12, 256, 64>}, {transform_indices = @transform_7, window_bounds = array<i64: 12, 256, 64>}]} {
    %get3A = arith.constant 0 : index
    %get3A_0 = arith.constant 0 : index
    %get3A_1 = vector.load %arg1[%get3A, %get3A_0] : memref<256x768xf32, #tpu.memory_space<vmem>>, vector<256x768xf32>
    %mul3A = arith.mulf %get3A_1, %get3A_1 : vector<256x768xf32>
    %reduce_sum3A = arith.constant dense<0.000000e+00> : vector<256xf32>
    %reduce_sum3A_2 = vector.multi_reduction <add>, %mul3A, %reduce_sum3A [1] : vector<256x768xf32> to vector<256xf32>
    %broadcast_in_dim3A = vector.shape_cast %reduce_sum3A_2 : vector<256xf32> to vector<256x1xf32>
    %div3A = arith.constant 7.680000e+02 : f32
    %div3A_3 = vector.broadcast %div3A : f32 to vector<256x1xf32>
    %div3A_4 = arith.divf %broadcast_in_dim3A, %div3A_3 : vector<256x1xf32>
    %add3A = arith.constant 9.99999997E-7 : f32
    %add3A_5 = vector.broadcast %add3A : f32 to vector<256x1xf32>
    %add3A_6 = arith.addf %div3A_4, %add3A_5 : vector<256x1xf32>
    %rsqrt3A = math.rsqrt %add3A_6 : vector<256x1xf32>
    %mul3A_7 = vector.broadcast %rsqrt3A : vector<256x1xf32> to vector<256x768xf32>
    %mul3A_8 = arith.mulf %get3A_1, %mul3A_7 : vector<256x768xf32>
    %get3A_9 = arith.constant 0 : index
    %get3A_10 = arith.constant 0 : index
    %get3A_11 = vector.load %arg2[%get3A_9, %get3A_10] : memref<1x768xf32, #tpu.memory_space<vmem>>, vector<1x768xf32>
    %mul3A_12 = vector.broadcast %get3A_11 : vector<1x768xf32> to vector<256x768xf32>
    %mul3A_13 = arith.mulf %mul3A_8, %mul3A_12 : vector<256x768xf32>
    %convert_element_type3A = arith.truncf %mul3A_13 : vector<256x768xf32> to vector<256x768xbf16>
    %get3A_14 = arith.constant 0 : index
    %get3A_15 = arith.constant 0 : index
    %get3A_16 = vector.load %arg3[%get3A_14, %get3A_15] : memref<768x2304xbf16, #tpu.memory_space<vmem>>, vector<768x2304xbf16>
    %dot_general3A = arith.constant dense<0.000000e+00> : vector<256x2304xf32>
    %dot_general3A_17 = tpu.matmul %convert_element_type3A, %get3A_16, %dot_general3A {dimension_numbers = #tpu.dot_dimension_numbers<[1], [0], [0], [1], [0, 0, 1, 1], [], []>, transpose_lhs_hint = false} : vector<256x768xbf16>, vector<768x2304xbf16>, vector<256x2304xf32> -> vector<256x2304xf32>
    %get3A_18 = arith.constant 0 : index
    %get3A_19 = arith.constant 0 : index
    %get3A_20 = vector.load %arg4[%get3A_18, %get3A_19] : memref<256x64xf32, #tpu.memory_space<vmem>>, vector<256x64xf32>
    %get3A_21 = arith.constant 0 : index
    %get3A_22 = arith.constant 0 : index
    %get3A_23 = vector.load %arg5[%get3A_21, %get3A_22] : memref<256x64xf32, #tpu.memory_space<vmem>>, vector<256x64xf32>
    %slice3A = vector.extract_strided_slice %dot_general3A_17 {offsets = [0, 0], sizes = [256, 64], strides = [1, 1]} : vector<256x2304xf32> to vector<256x64xf32>
    %slice3A_24 = vector.extract_strided_slice %dot_general3A_17 {offsets = [0, 768], sizes = [256, 64], strides = [1, 1]} : vector<256x2304xf32> to vector<256x64xf32>
    %slice3A_25 = vector.extract_strided_slice %dot_general3A_17 {offsets = [0, 1536], sizes = [256, 64], strides = [1, 1]} : vector<256x2304xf32> to vector<256x64xf32>
    %slice3A_26 = vector.extract_strided_slice %slice3A {offsets = [0, 0], sizes = [256, 32], strides = [1, 1]} : vector<256x64xf32> to vector<256x32xf32>
    %slice3A_27 = vector.extract_strided_slice %slice3A {offsets = [0, 32], sizes = [256, 32], strides = [1, 1]} : vector<256x64xf32> to vector<256x32xf32>
    %neg3A = arith.constant 0.000000e+00 : f32
    %neg3A_28 = vector.broadcast %neg3A : f32 to vector<256x32xf32>
    %neg3A_29 = arith.subf %neg3A_28, %slice3A_27 : vector<256x32xf32>
    %concatenate3A = tpu.concatenate %neg3A_29, %slice3A_26 in 1 : vector<256x32xf32>, vector<256x32xf32> -> vector<256x64xf32>
    %mul3A_30 = arith.mulf %slice3A, %get3A_20 : vector<256x64xf32>
    %mul3A_31 = arith.mulf %concatenate3A, %get3A_23 : vector<256x64xf32>
    %add3A_32 = arith.addf %mul3A_30, %mul3A_31 : vector<256x64xf32>
    %convert_element_type3A_33 = arith.truncf %add3A_32 : vector<256x64xf32> to vector<256x64xbf16>
    %swap3A = arith.constant 0 : index
    %swap3A_34 = arith.constant 0 : index
    %swap3A_35 = arith.constant 0 : index
    %swap3A_36 = vector.load %arg6[%swap3A, %swap3A_34, %swap3A_35] : memref<12x256x64xbf16, #tpu.memory_space<vmem>>, vector<1x256x64xbf16>
    %swap3A_37 = vector.shape_cast %swap3A_36 : vector<1x256x64xbf16> to vector<256x64xbf16>
    %swap3A_38 = vector.shape_cast %convert_element_type3A_33 : vector<256x64xbf16> to vector<1x256x64xbf16>
    tpu.vector_store %arg6[%swap3A, %swap3A_34, %swap3A_35], %swap3A_38 {strides = array<i32>} : memref<12x256x64xbf16, #tpu.memory_space<vmem>>, vector<1x256x64xbf16>,
    %slice3A_39 = vector.extract_strided_slice %slice3A_24 {offsets = [0, 0], sizes = [256, 32], strides = [1, 1]} : vector<256x64xf32> to vector<256x32xf32>
    %slice3A_40 = vector.extract_strided_slice %slice3A_24 {offsets = [0, 32], sizes = [256, 32], strides = [1, 1]} : vector<256x64xf32> to vector<256x32xf32>
    %neg3A_41 = arith.constant 0.000000e+00 : f32
    %neg3A_42 = vector.broadcast %neg3A_41 : f32 to vector<256x32xf32>
    %neg3A_43 = arith.subf %neg3A_42, %slice3A_40 : vector<256x32xf32>
    %concatenate3A_44 = tpu.concatenate %neg3A_43, %slice3A_39 in 1 : vector<256x32xf32>, vector<256x32xf32> -> vector<256x64xf32>
    %mul3A_45 = arith.mulf %slice3A_24, %get3A_20 : vector<256x64xf32>
    %mul3A_46 = arith.mulf %concatenate3A_44, %get3A_23 : vector<256x64xf32>
    %add3A_47 = arith.addf %mul3A_45, %mul3A_46 : vector<256x64xf32>
    %convert_element_type3A_48 = arith.truncf %add3A_47 : vector<256x64xf32> to vector<256x64xbf16>
    %swap3A_49 = arith.constant 0 : index
    %swap3A_50 = arith.constant 0 : index
    %swap3A_51 = arith.constant 0 : index
    %swap3A_52 = vector.load %arg7[%swap3A_49, %swap3A_50, %swap3A_51] : memref<12x256x64xbf16, #tpu.memory_space<vmem>>, vector<1x256x64xbf16>
    %swap3A_53 = vector.shape_cast %swap3A_52 : vector<1x256x64xbf16> to vector<256x64xbf16>
    %swap3A_54 = vector.shape_cast %convert_element_type3A_48 : vector<256x64xbf16> to vector<1x256x64xbf16>
    tpu.vector_store %arg7[%swap3A_49, %swap3A_50, %swap3A_51], %swap3A_54 {strides = array<i32>} : memref<12x256x64xbf16, #tpu.memory_space<vmem>>, vector<1x256x64xbf16>,
    %convert_element_type3A_55 = arith.truncf %slice3A_25 : vector<256x64xf32> to vector<256x64xbf16>
    %swap3A_56 = arith.constant 0 : index
    %swap3A_57 = arith.constant 0 : index
    %swap3A_58 = arith.constant 0 : index
    %swap3A_59 = vector.load %arg8[%swap3A_56, %swap3A_57, %swap3A_58] : memref<12x256x64xbf16, #tpu.memory_space<vmem>>, vector<1x256x64xbf16>
    %swap3A_60 = vector.shape_cast %swap3A_59 : vector<1x256x64xbf16> to vector<256x64xbf16>
    %swap3A_61 = vector.shape_cast %convert_element_type3A_55 : vector<256x64xbf16> to vector<1x256x64xbf16>
    tpu.vector_store %arg8[%swap3A_56, %swap3A_57, %swap3A_58], %swap3A_61 {strides = array<i32>} : memref<12x256x64xbf16, #tpu.memory_space<vmem>>, vector<1x256x64xbf16>,
    %slice3A_62 = vector.extract_strided_slice %dot_general3A_17 {offsets = [0, 64], sizes = [256, 64], strides = [1, 1]} : vector<256x2304xf32> to vector<256x64xf32>
    %slice3A_63 = vector.extract_strided_slice %dot_general3A_17 {offsets = [0, 832], sizes = [256, 64], strides = [1, 1]} : vector<256x2304xf32> to vector<256x64xf32>
    %slice3A_64 = vector.extract_strided_slice %dot_general3A_17 {offsets = [0, 1600], sizes = [256, 64], strides = [1, 1]} : vector<256x2304xf32> to vector<256x64xf32>
    %slice3A_65 = vector.extract_strided_slice %slice3A_62 {offsets = [0, 0], sizes = [256, 32], strides = [1, 1]} : vector<256x64xf32> to vector<256x32xf32>
    %slice3A_66 = vector.extract_strided_slice %slice3A_62 {offsets = [0, 32], sizes = [256, 32], strides = [1, 1]} : vector<256x64xf32> to vector<256x32xf32>
    %neg3A_67 = arith.constant 0.000000e+00 : f32
    %neg3A_68 = vector.broadcast %neg3A_67 : f32 to vector<256x32xf32>
    %neg3A_69 = arith.subf %neg3A_68, %slice3A_66 : vector<256x32xf32>
    %concatenate3A_70 = tpu.concatenate %neg3A_69, %slice3A_65 in 1 : vector<256x32xf32>, vector<256x32xf32> -> vector<256x64xf32>
    %mul3A_71 = arith.mulf %slice3A_62, %get3A_20 : vector<256x64xf32>
    %mul3A_72 = arith.mulf %concatenate3A_70, %get3A_23 : vector<256x64xf32>
    %add3A_73 = arith.addf %mul3A_71, %mul3A_72 : vector<256x64xf32>
    %convert_element_type3A_74 = arith.truncf %add3A_73 : vector<256x64xf32> to vector<256x64xbf16>
    %swap3A_75 = arith.constant 1 : index
    %swap3A_76 = arith.constant 0 : index
    %swap3A_77 = arith.constant 0 : index
    %swap3A_78 = vector.load %arg6[%swap3A_75, %swap3A_76, %swap3A_77] : memref<12x256x64xbf16, #tpu.memory_space<vmem>>, vector<1x256x64xbf16>
    %swap3A_79 = vector.shape_cast %swap3A_78 : vector<1x256x64xbf16> to vector<256x64xbf16>
    %swap3A_80 = vector.shape_cast %convert_element_type3A_74 : vector<256x64xbf16> to vector<1x256x64xbf16>
    tpu.vector_store %arg6[%swap3A_75, %swap3A_76, %swap3A_77], %swap3A_80 {strides = array<i32>} : memref<12x256x64xbf16, #tpu.memory_space<vmem>>, vector<1x256x64xbf16>,
    %slice3A_81 = vector.extract_strided_slice %slice3A_63 {offsets = [0, 0], sizes = [256, 32], strides = [1, 1]} : vector<256x64xf32> to vector<256x32xf32>
    %slice3A_82 = vector.extract_strided_slice %slice3A_63 {offsets = [0, 32], sizes = [256, 32], strides = [1, 1]} : vector<256x64xf32> to vector<256x32xf32>
    %neg3A_83 = arith.constant 0.000000e+00 : f32
    %neg3A_84 = vector.broadcast %neg3A_83 : f32 to vector<256x32xf32>
    %neg3A_85 = arith.subf %neg3A_84, %slice3A_82 : vector<256x32xf32>
    %concatenate3A_86 = tpu.concatenate %neg3A_85, %slice3A_81 in 1 : vector<256x32xf32>, vector<256x32xf32> -> vector<256x64xf32>
    %mul3A_87 = arith.mulf %slice3A_63, %get3A_20 : vector<256x64xf32>
    %mul3A_88 = arith.mulf %concatenate3A_86, %get3A_23 : vector<256x64xf32>
    %add3A_89 = arith.addf %mul3A_87, %mul3A_88 : vector<256x64xf32>
    %convert_element_type3A_90 = arith.truncf %add3A_89 : vector<256x64xf32> to vector<256x64xbf16>
    %swap3A_91 = arith.constant 1 : index
    %swap3A_92 = arith.constant 0 : index
    %swap3A_93 = arith.constant 0 : index
    %swap3A_94 = vector.load %arg7[%swap3A_91, %swap3A_92, %swap3A_93] : memref<12x256x64xbf16, #tpu.memory_space<vmem>>, vector<1x256x64xbf16>
    %swap3A_95 = vector.shape_cast %swap3A_94 : vector<1x256x64xbf16> to vector<256x64xbf16>
    %swap3A_96 = vector.shape_cast %convert_element_type3A_90 : vector<256x64xbf16> to vector<1x256x64xbf16>
    tpu.vector_store %arg7[%swap3A_91, %swap3A_92, %swap3A_93], %swap3A_96 {strides = array<i32>} : memref<12x256x64xbf16, #tpu.memory_space<vmem>>, vector<1x256x64xbf16>,
    %convert_element_type3A_97 = arith.truncf %slice3A_64 : vector<256x64xf32> to vector<256x64xbf16>
    %swap3A_98 = arith.constant 1 : index
    %swap3A_99 = arith.constant 0 : index
    %swap3A_100 = arith.constant 0 : index
    %swap3A_101 = vector.load %arg8[%swap3A_98, %swap3A_99, %swap3A_100] : memref<12x256x64xbf16, #tpu.memory_space<vmem>>, vector<1x256x64xbf16>
    %swap3A_102 = vector.shape_cast %swap3A_101 : vector<1x256x64xbf16> to vector<256x64xbf16>
    %swap3A_103 = vector.shape_cast %convert_element_type3A_97 : vector<256x64xbf16> to vector<1x256x64xbf16>
    tpu.vector_store %arg8[%swap3A_98, %swap3A_99, %swap3A_100], %swap3A_103 {strides = array<i32>} : memref<12x256x64xbf16, #tpu.memory_space<vmem>>, vector<1x256x64xbf16>,
    %slice3A_104 = vector.extract_strided_slice %dot_general3A_17 {offsets = [0, 128], sizes = [256, 64], strides = [1, 1]} : vector<256x2304xf32> to vector<256x64xf32>
    %slice3A_105 = vector.extract_strided_slice %dot_general3A_17 {offsets = [0, 896], sizes = [256, 64], strides = [1, 1]} : vector<256x2304xf32> to vector<256x64xf32>
    %slice3A_106 = vector.extract_strided_slice %dot_general3A_17 {offsets = [0, 1664], sizes = [256, 64], strides = [1, 1]} : vector<256x2304xf32> to vector<256x64xf32>
    %slice3A_107 = vector.extract_strided_slice %slice3A_104 {offsets = [0, 0], sizes = [256, 32], strides = [1, 1]} : vector<256x64xf32> to vector<256x32xf32>
    %slice3A_108 = vector.extract_strided_slice %slice3A_104 {offsets = [0, 32], sizes = [256, 32], strides = [1, 1]} : vector<256x64xf32> to vector<256x32xf32>
    %neg3A_109 = arith.constant 0.000000e+00 : f32
    %neg3A_110 = vector.broadcast %neg3A_109 : f32 to vector<256x32xf32>
    %neg3A_111 = arith.subf %neg3A_110, %slice3A_108 : vector<256x32xf32>
    %concatenate3A_112 = tpu.concatenate %neg3A_111, %slice3A_107 in 1 : vector<256x32xf32>, vector<256x32xf32> -> vector<256x64xf32>
    %mul3A_113 = arith.mulf %slice3A_104, %get3A_20 : vector<256x64xf32>
    %mul3A_114 = arith.mulf %concatenate3A_112, %get3A_23 : vector<256x64xf32>
    %add3A_115 = arith.addf %mul3A_113, %mul3A_114 : vector<256x64xf32>
    %convert_element_type3A_116 = arith.truncf %add3A_115 : vector<256x64xf32> to vector<256x64xbf16>
    %swap3A_117 = arith.constant 2 : index
    %swap3A_118 = arith.constant 0 : index
    %swap3A_119 = arith.constant 0 : index
    %swap3A_120 = vector.load %arg6[%swap3A_117, %swap3A_118, %swap3A_119] : memref<12x256x64xbf16, #tpu.memory_space<vmem>>, vector<1x256x64xbf16>
    %swap3A_121 = vector.shape_cast %swap3A_120 : vector<1x256x64xbf16> to vector<256x64xbf16>
    %swap3A_122 = vector.shape_cast %convert_element_type3A_116 : vector<256x64xbf16> to vector<1x256x64xbf16>
    tpu.vector_store %arg6[%swap3A_117, %swap3A_118, %swap3A_119], %swap3A_122 {strides = array<i32>} : memref<12x256x64xbf16, #tpu.memory_space<vmem>>, vector<1x256x64xbf16>,
    %slice3A_123 = vector.extract_strided_slice %slice3A_105 {offsets = [0, 0], sizes = [256, 32], strides = [1, 1]} : vector<256x64xf32> to vector<256x32xf32>
    %slice3A_124 = vector.extract_strided_slice %slice3A_105 {offsets = [0, 32], sizes = [256, 32], strides = [1, 1]} : vector<256x64xf32> to vector<256x32xf32>
    %neg3A_125 = arith.constant 0.000000e+00 : f32
    %neg3A_126 = vector.broadcast %neg3A_125 : f32 to vector<256x32xf32>
    %neg3A_127 = arith.subf %neg3A_126, %slice3A_124 : vector<256x32xf32>
    %concatenate3A_128 = tpu.concatenate %neg3A_127, %slice3A_123 in 1 : vector<256x32xf32>, vector<256x32xf32> -> vector<256x64xf32>
    %mul3A_129 = arith.mulf %slice3A_105, %get3A_20 : vector<256x64xf32>
    %mul3A_130 = arith.mulf %concatenate3A_128, %get3A_23 : vector<256x64xf32>
    %add3A_131 = arith.addf %mul3A_129, %mul3A_130 : vector<256x64xf32>
    %convert_element_type3A_132 = arith.truncf %add3A_131 : vector<256x64xf32> to vector<256x64xbf16>
    %swap3A_133 = arith.constant 2 : index
    %swap3A_134 = arith.constant 0 : index
    %swap3A_135 = arith.constant 0 : index
    %swap3A_136 = vector.load %arg7[%swap3A_133, %swap3A_134, %swap3A_135] : memref<12x256x64xbf16, #tpu.memory_space<vmem>>, vector<1x256x64xbf16>
    %swap3A_137 = vector.shape_cast %swap3A_136 : vector<1x256x64xbf16> to vector<256x64xbf16>
    %swap3A_138 = vector.shape_cast %convert_element_type3A_132 : vector<256x64xbf16> to vector<1x256x64xbf16>
    tpu.vector_store %arg7[%swap3A_133, %swap3A_134, %swap3A_135], %swap3A_138 {strides = array<i32>} : memref<12x256x64xbf16, #tpu.memory_space<vmem>>, vector<1x256x64xbf16>,
    %convert_element_type3A_139 = arith.truncf %slice3A_106 : vector<256x64xf32> to vector<256x64xbf16>
    %swap3A_140 = arith.constant 2 : index
    %swap3A_141 = arith.constant 0 : index
    %swap3A_142 = arith.constant 0 : index
    %swap3A_143 = vector.load %arg8[%swap3A_140, %swap3A_141, %swap3A_142] : memref<12x256x64xbf16, #tpu.memory_space<vmem>>, vector<1x256x64xbf16>
    %swap3A_144 = vector.shape_cast %swap3A_143 : vector<1x256x64xbf16> to vector<256x64xbf16>
    %swap3A_145 = vector.shape_cast %convert_element_type3A_139 : vector<256x64xbf16> to vector<1x256x64xbf16>
    tpu.vector_store %arg8[%swap3A_140, %swap3A_141, %swap3A_142], %swap3A_145 {strides = array<i32>} : memref<12x256x64xbf16, #tpu.memory_space<vmem>>, vector<1x256x64xbf16>,
    %slice3A_146 = vector.extract_strided_slice %dot_general3A_17 {offsets = [0, 192], sizes = [256, 64], strides = [1, 1]} : vector<256x2304xf32> to vector<256x64xf32>
    %slice3A_147 = vector.extract_strided_slice %dot_general3A_17 {offsets = [0, 960], sizes = [256, 64], strides = [1, 1]} : vector<256x2304xf32> to vector<256x64xf32>
    %slice3A_148 = vector.extract_strided_slice %dot_general3A_17 {offsets = [0, 1728], sizes = [256, 64], strides = [1, 1]} : vector<256x2304xf32> to vector<256x64xf32>
    %slice3A_149 = vector.extract_strided_slice %slice3A_146 {offsets = [0, 0], sizes = [256, 32], strides = [1, 1]} : vector<256x64xf32> to vector<256x32xf32>
    %slice3A_150 = vector.extract_strided_slice %slice3A_146 {offsets = [0, 32], sizes = [256, 32], strides = [1, 1]} : vector<256x64xf32> to vector<256x32xf32>
    %neg3A_151 = arith.constant 0.000000e+00 : f32
    %neg3A_152 = vector.broadcast %neg3A_151 : f32 to vector<256x32xf32>
    %neg3A_153 = arith.subf %neg3A_152, %slice3A_150 : vector<256x32xf32>
    %concatenate3A_154 = tpu.concatenate %neg3A_153, %slice3A_149 in 1 : vector<256x32xf32>, vector<256x32xf32> -> vector<256x64xf32>
    %mul3A_155 = arith.mulf %slice3A_146, %get3A_20 : vector<256x64xf32>
    %mul3A_156 = arith.mulf %concatenate3A_154, %get3A_23 : vector<256x64xf32>
    %add3A_157 = arith.addf %mul3A_155, %mul3A_156 : vector<256x64xf32>
    %convert_element_type3A_158 = arith.truncf %add3A_157 : vector<256x64xf32> to vector<256x64xbf16>
    %swap3A_159 = arith.constant 3 : index
    %swap3A_160 = arith.constant 0 : index
    %swap3A_161 = arith.constant 0 : index
    %swap3A_162 = vector.load %arg6[%swap3A_159, %swap3A_160, %swap3A_161] : memref<12x256x64xbf16, #tpu.memory_space<vmem>>, vector<1x256x64xbf16>
    %swap3A_163 = vector.shape_cast %swap3A_162 : vector<1x256x64xbf16> to vector<256x64xbf16>
    %swap3A_164 = vector.shape_cast %convert_element_type3A_158 : vector<256x64xbf16> to vector<1x256x64xbf16>
    tpu.vector_store %arg6[%swap3A_159, %swap3A_160, %swap3A_161], %swap3A_164 {strides = array<i32>} : memref<12x256x64xbf16, #tpu.memory_space<vmem>>, vector<1x256x64xbf16>,
    %slice3A_165 = vector.extract_strided_slice %slice3A_147 {offsets = [0, 0], sizes = [256, 32], strides = [1, 1]} : vector<256x64xf32> to vector<256x32xf32>
    %slice3A_166 = vector.extract_strided_slice %slice3A_147 {offsets = [0, 32], sizes = [256, 32], strides = [1, 1]} : vector<256x64xf32> to vector<256x32xf32>
    %neg3A_167 = arith.constant 0.000000e+00 : f32
    %neg3A_168 = vector.broadcast %neg3A_167 : f32 to vector<256x32xf32>
    %neg3A_169 = arith.subf %neg3A_168, %slice3A_166 : vector<256x32xf32>
    %concatenate3A_170 = tpu.concatenate %neg3A_169, %slice3A_165 in 1 : vector<256x32xf32>, vector<256x32xf32> -> vector<256x64xf32>
    %mul3A_171 = arith.mulf %slice3A_147, %get3A_20 : vector<256x64xf32>
    %mul3A_172 = arith.mulf %concatenate3A_170, %get3A_23 : vector<256x64xf32>
    %add3A_173 = arith.addf %mul3A_171, %mul3A_172 : vector<256x64xf32>
    %convert_element_type3A_174 = arith.truncf %add3A_173 : vector<256x64xf32> to vector<256x64xbf16>
    %swap3A_175 = arith.constant 3 : index
    %swap3A_176 = arith.constant 0 : index
    %swap3A_177 = arith.constant 0 : index
    %swap3A_178 = vector.load %arg7[%swap3A_175, %swap3A_176, %swap3A_177] : memref<12x256x64xbf16, #tpu.memory_space<vmem>>, vector<1x256x64xbf16>
    %swap3A_179 = vector.shape_cast %swap3A_178 : vector<1x256x64xbf16> to vector<256x64xbf16>
    %swap3A_180 = vector.shape_cast %convert_element_type3A_174 : vector<256x64xbf16> to vector<1x256x64xbf16>
    tpu.vector_store %arg7[%swap3A_175, %swap3A_176, %swap3A_177], %swap3A_180 {strides = array<i32>} : memref<12x256x64xbf16, #tpu.memory_space<vmem>>, vector<1x256x64xbf16>,
    %convert_element_type3A_181 = arith.truncf %slice3A_148 : vector<256x64xf32> to vector<256x64xbf16>
    %swap3A_182 = arith.constant 3 : index
    %swap3A_183 = arith.constant 0 : index
    %swap3A_184 = arith.constant 0 : index
    %swap3A_185 = vector.load %arg8[%swap3A_182, %swap3A_183, %swap3A_184] : memref<12x256x64xbf16, #tpu.memory_space<vmem>>, vector<1x256x64xbf16>
    %swap3A_186 = vector.shape_cast %swap3A_185 : vector<1x256x64xbf16> to vector<256x64xbf16>
    %swap3A_187 = vector.shape_cast %convert_element_type3A_181 : vector<256x64xbf16> to vector<1x256x64xbf16>
    tpu.vector_store %arg8[%swap3A_182, %swap3A_183, %swap3A_184], %swap3A_187 {strides = array<i32>} : memref<12x256x64xbf16, #tpu.memory_space<vmem>>, vector<1x256x64xbf16>,
    %slice3A_188 = vector.extract_strided_slice %dot_general3A_17 {offsets = [0, 256], sizes = [256, 64], strides = [1, 1]} : vector<256x2304xf32> to vector<256x64xf32>
    %slice3A_189 = vector.extract_strided_slice %dot_general3A_17 {offsets = [0, 1024], sizes = [256, 64], strides = [1, 1]} : vector<256x2304xf32> to vector<256x64xf32>
    %slice3A_190 = vector.extract_strided_slice %dot_general3A_17 {offsets = [0, 1792], sizes = [256, 64], strides = [1, 1]} : vector<256x2304xf32> to vector<256x64xf32>
    %slice3A_191 = vector.extract_strided_slice %slice3A_188 {offsets = [0, 0], sizes = [256, 32], strides = [1, 1]} : vector<256x64xf32> to vector<256x32xf32>
    %slice3A_192 = vector.extract_strided_slice %slice3A_188 {offsets = [0, 32], sizes = [256, 32], strides = [1, 1]} : vector<256x64xf32> to vector<256x32xf32>
    %neg3A_193 = arith.constant 0.000000e+00 : f32
    %neg3A_194 = vector.broadcast %neg3A_193 : f32 to vector<256x32xf32>
    %neg3A_195 = arith.subf %neg3A_194, %slice3A_192 : vector<256x32xf32>
    %concatenate3A_196 = tpu.concatenate %neg3A_195, %slice3A_191 in 1 : vector<256x32xf32>, vector<256x32xf32> -> vector<256x64xf32>
    %mul3A_197 = arith.mulf %slice3A_188, %get3A_20 : vector<256x64xf32>
    %mul3A_198 = arith.mulf %concatenate3A_196, %get3A_23 : vector<256x64xf32>
    %add3A_199 = arith.addf %mul3A_197, %mul3A_198 : vector<256x64xf32>
    %convert_element_type3A_200 = arith.truncf %add3A_199 : vector<256x64xf32> to vector<256x64xbf16>
    %swap3A_201 = arith.constant 4 : index
    %swap3A_202 = arith.constant 0 : index
    %swap3A_203 = arith.constant 0 : index
    %swap3A_204 = vector.load %arg6[%swap3A_201, %swap3A_202, %swap3A_203] : memref<12x256x64xbf16, #tpu.memory_space<vmem>>, vector<1x256x64xbf16>
    %swap3A_205 = vector.shape_cast %swap3A_204 : vector<1x256x64xbf16> to vector<256x64xbf16>
    %swap3A_206 = vector.shape_cast %convert_element_type3A_200 : vector<256x64xbf16> to vector<1x256x64xbf16>
    tpu.vector_store %arg6[%swap3A_201, %swap3A_202, %swap3A_203], %swap3A_206 {strides = array<i32>} : memref<12x256x64xbf16, #tpu.memory_space<vmem>>, vector<1x256x64xbf16>,
    %slice3A_207 = vector.extract_strided_slice %slice3A_189 {offsets = [0, 0], sizes = [256, 32], strides = [1, 1]} : vector<256x64xf32> to vector<256x32xf32>
    %slice3A_208 = vector.extract_strided_slice %slice3A_189 {offsets = [0, 32], sizes = [256, 32], strides = [1, 1]} : vector<256x64xf32> to vector<256x32xf32>
    %neg3A_209 = arith.constant 0.000000e+00 : f32
    %neg3A_210 = vector.broadcast %neg3A_209 : f32 to vector<256x32xf32>
    %neg3A_211 = arith.subf %neg3A_210, %slice3A_208 : vector<256x32xf32>
    %concatenate3A_212 = tpu.concatenate %neg3A_211, %slice3A_207 in 1 : vector<256x32xf32>, vector<256x32xf32> -> vector<256x64xf32>
    %mul3A_213 = arith.mulf %slice3A_189, %get3A_20 : vector<256x64xf32>
    %mul3A_214 = arith.mulf %concatenate3A_212, %get3A_23 : vector<256x64xf32>
    %add3A_215 = arith.addf %mul3A_213, %mul3A_214 : vector<256x64xf32>
    %convert_element_type3A_216 = arith.truncf %add3A_215 : vector<256x64xf32> to vector<256x64xbf16>
    %swap3A_217 = arith.constant 4 : index
    %swap3A_218 = arith.constant 0 : index
    %swap3A_219 = arith.constant 0 : index
    %swap3A_220 = vector.load %arg7[%swap3A_217, %swap3A_218, %swap3A_219] : memref<12x256x64xbf16, #tpu.memory_space<vmem>>, vector<1x256x64xbf16>
    %swap3A_221 = vector.shape_cast %swap3A_220 : vector<1x256x64xbf16> to vector<256x64xbf16>
    %swap3A_222 = vector.shape_cast %convert_element_type3A_216 : vector<256x64xbf16> to vector<1x256x64xbf16>
    tpu.vector_store %arg7[%swap3A_217, %swap3A_218, %swap3A_219], %swap3A_222 {strides = array<i32>} : memref<12x256x64xbf16, #tpu.memory_space<vmem>>, vector<1x256x64xbf16>,
    %convert_element_type3A_223 = arith.truncf %slice3A_190 : vector<256x64xf32> to vector<256x64xbf16>
    %swap3A_224 = arith.constant 4 : index
    %swap3A_225 = arith.constant 0 : index
    %swap3A_226 = arith.constant 0 : index
    %swap3A_227 = vector.load %arg8[%swap3A_224, %swap3A_225, %swap3A_226] : memref<12x256x64xbf16, #tpu.memory_space<vmem>>, vector<1x256x64xbf16>
    %swap3A_228 = vector.shape_cast %swap3A_227 : vector<1x256x64xbf16> to vector<256x64xbf16>
    %swap3A_229 = vector.shape_cast %convert_element_type3A_223 : vector<256x64xbf16> to vector<1x256x64xbf16>
    tpu.vector_store %arg8[%swap3A_224, %swap3A_225, %swap3A_226], %swap3A_229 {strides = array<i32>} : memref<12x256x64xbf16, #tpu.memory_space<vmem>>, vector<1x256x64xbf16>,
    %slice3A_230 = vector.extract_strided_slice %dot_general3A_17 {offsets = [0, 320], sizes = [256, 64], strides = [1, 1]} : vector<256x2304xf32> to vector<256x64xf32>
    %slice3A_231 = vector.extract_strided_slice %dot_general3A_17 {offsets = [0, 1088], sizes = [256, 64], strides = [1, 1]} : vector<256x2304xf32> to vector<256x64xf32>
    %slice3A_232 = vector.extract_strided_slice %dot_general3A_17 {offsets = [0, 1856], sizes = [256, 64], strides = [1, 1]} : vector<256x2304xf32> to vector<256x64xf32>
    %slice3A_233 = vector.extract_strided_slice %slice3A_230 {offsets = [0, 0], sizes = [256, 32], strides = [1, 1]} : vector<256x64xf32> to vector<256x32xf32>
    %slice3A_234 = vector.extract_strided_slice %slice3A_230 {offsets = [0, 32], sizes = [256, 32], strides = [1, 1]} : vector<256x64xf32> to vector<256x32xf32>
    %neg3A_235 = arith.constant 0.000000e+00 : f32
    %neg3A_236 = vector.broadcast %neg3A_235 : f32 to vector<256x32xf32>
    %neg3A_237 = arith.subf %neg3A_236, %slice3A_234 : vector<256x32xf32>
    %concatenate3A_238 = tpu.concatenate %neg3A_237, %slice3A_233 in 1 : vector<256x32xf32>, vector<256x32xf32> -> vector<256x64xf32>
    %mul3A_239 = arith.mulf %slice3A_230, %get3A_20 : vector<256x64xf32>
    %mul3A_240 = arith.mulf %concatenate3A_238, %get3A_23 : vector<256x64xf32>
    %add3A_241 = arith.addf %mul3A_239, %mul3A_240 : vector<256x64xf32>
    %convert_element_type3A_242 = arith.truncf %add3A_241 : vector<256x64xf32> to vector<256x64xbf16>
    %swap3A_243 = arith.constant 5 : index
    %swap3A_244 = arith.constant 0 : index
    %swap3A_245 = arith.constant 0 : index
    %swap3A_246 = vector.load %arg6[%swap3A_243, %swap3A_244, %swap3A_245] : memref<12x256x64xbf16, #tpu.memory_space<vmem>>, vector<1x256x64xbf16>
    %swap3A_247 = vector.shape_cast %swap3A_246 : vector<1x256x64xbf16> to vector<256x64xbf16>
    %swap3A_248 = vector.shape_cast %convert_element_type3A_242 : vector<256x64xbf16> to vector<1x256x64xbf16>
    tpu.vector_store %arg6[%swap3A_243, %swap3A_244, %swap3A_245], %swap3A_248 {strides = array<i32>} : memref<12x256x64xbf16, #tpu.memory_space<vmem>>, vector<1x256x64xbf16>,
    %slice3A_249 = vector.extract_strided_slice %slice3A_231 {offsets = [0, 0], sizes = [256, 32], strides = [1, 1]} : vector<256x64xf32> to vector<256x32xf32>
    %slice3A_250 = vector.extract_strided_slice %slice3A_231 {offsets = [0, 32], sizes = [256, 32], strides = [1, 1]} : vector<256x64xf32> to vector<256x32xf32>
    %neg3A_251 = arith.constant 0.000000e+00 : f32
    %neg3A_252 = vector.broadcast %neg3A_251 : f32 to vector<256x32xf32>
    %neg3A_253 = arith.subf %neg3A_252, %slice3A_250 : vector<256x32xf32>
    %concatenate3A_254 = tpu.concatenate %neg3A_253, %slice3A_249 in 1 : vector<256x32xf32>, vector<256x32xf32> -> vector<256x64xf32>
    %mul3A_255 = arith.mulf %slice3A_231, %get3A_20 : vector<256x64xf32>
    %mul3A_256 = arith.mulf %concatenate3A_254, %get3A_23 : vector<256x64xf32>
    %add3A_257 = arith.addf %mul3A_255, %mul3A_256 : vector<256x64xf32>
    %convert_element_type3A_258 = arith.truncf %add3A_257 : vector<256x64xf32> to vector<256x64xbf16>
    %swap3A_259 = arith.constant 5 : index
    %swap3A_260 = arith.constant 0 : index
    %swap3A_261 = arith.constant 0 : index
    %swap3A_262 = vector.load %arg7[%swap3A_259, %swap3A_260, %swap3A_261] : memref<12x256x64xbf16, #tpu.memory_space<vmem>>, vector<1x256x64xbf16>
    %swap3A_263 = vector.shape_cast %swap3A_262 : vector<1x256x64xbf16> to vector<256x64xbf16>
    %swap3A_264 = vector.shape_cast %convert_element_type3A_258 : vector<256x64xbf16> to vector<1x256x64xbf16>
    tpu.vector_store %arg7[%swap3A_259, %swap3A_260, %swap3A_261], %swap3A_264 {strides = array<i32>} : memref<12x256x64xbf16, #tpu.memory_space<vmem>>, vector<1x256x64xbf16>,
    %convert_element_type3A_265 = arith.truncf %slice3A_232 : vector<256x64xf32> to vector<256x64xbf16>
    %swap3A_266 = arith.constant 5 : index
    %swap3A_267 = arith.constant 0 : index
    %swap3A_268 = arith.constant 0 : index
    %swap3A_269 = vector.load %arg8[%swap3A_266, %swap3A_267, %swap3A_268] : memref<12x256x64xbf16, #tpu.memory_space<vmem>>, vector<1x256x64xbf16>
    %swap3A_270 = vector.shape_cast %swap3A_269 : vector<1x256x64xbf16> to vector<256x64xbf16>
    %swap3A_271 = vector.shape_cast %convert_element_type3A_265 : vector<256x64xbf16> to vector<1x256x64xbf16>
    tpu.vector_store %arg8[%swap3A_266, %swap3A_267, %swap3A_268], %swap3A_271 {strides = array<i32>} : memref<12x256x64xbf16, #tpu.memory_space<vmem>>, vector<1x256x64xbf16>,
    %slice3A_272 = vector.extract_strided_slice %dot_general3A_17 {offsets = [0, 384], sizes = [256, 64], strides = [1, 1]} : vector<256x2304xf32> to vector<256x64xf32>
    %slice3A_273 = vector.extract_strided_slice %dot_general3A_17 {offsets = [0, 1152], sizes = [256, 64], strides = [1, 1]} : vector<256x2304xf32> to vector<256x64xf32>
    %slice3A_274 = vector.extract_strided_slice %dot_general3A_17 {offsets = [0, 1920], sizes = [256, 64], strides = [1, 1]} : vector<256x2304xf32> to vector<256x64xf32>
    %slice3A_275 = vector.extract_strided_slice %slice3A_272 {offsets = [0, 0], sizes = [256, 32], strides = [1, 1]} : vector<256x64xf32> to vector<256x32xf32>
    %slice3A_276 = vector.extract_strided_slice %slice3A_272 {offsets = [0, 32], sizes = [256, 32], strides = [1, 1]} : vector<256x64xf32> to vector<256x32xf32>
    %neg3A_277 = arith.constant 0.000000e+00 : f32
    %neg3A_278 = vector.broadcast %neg3A_277 : f32 to vector<256x32xf32>
    %neg3A_279 = arith.subf %neg3A_278, %slice3A_276 : vector<256x32xf32>
    %concatenate3A_280 = tpu.concatenate %neg3A_279, %slice3A_275 in 1 : vector<256x32xf32>, vector<256x32xf32> -> vector<256x64xf32>
    %mul3A_281 = arith.mulf %slice3A_272, %get3A_20 : vector<256x64xf32>
    %mul3A_282 = arith.mulf %concatenate3A_280, %get3A_23 : vector<256x64xf32>
    %add3A_283 = arith.addf %mul3A_281, %mul3A_282 : vector<256x64xf32>
    %convert_element_type3A_284 = arith.truncf %add3A_283 : vector<256x64xf32> to vector<256x64xbf16>
    %swap3A_285 = arith.constant 6 : index
    %swap3A_286 = arith.constant 0 : index
    %swap3A_287 = arith.constant 0 : index
    %swap3A_288 = vector.load %arg6[%swap3A_285, %swap3A_286, %swap3A_287] : memref<12x256x64xbf16, #tpu.memory_space<vmem>>, vector<1x256x64xbf16>
    %swap3A_289 = vector.shape_cast %swap3A_288 : vector<1x256x64xbf16> to vector<256x64xbf16>
    %swap3A_290 = vector.shape_cast %convert_element_type3A_284 : vector<256x64xbf16> to vector<1x256x64xbf16>
    tpu.vector_store %arg6[%swap3A_285, %swap3A_286, %swap3A_287], %swap3A_290 {strides = array<i32>} : memref<12x256x64xbf16, #tpu.memory_space<vmem>>, vector<1x256x64xbf16>,
    %slice3A_291 = vector.extract_strided_slice %slice3A_273 {offsets = [0, 0], sizes = [256, 32], strides = [1, 1]} : vector<256x64xf32> to vector<256x32xf32>
    %slice3A_292 = vector.extract_strided_slice %slice3A_273 {offsets = [0, 32], sizes = [256, 32], strides = [1, 1]} : vector<256x64xf32> to vector<256x32xf32>
    %neg3A_293 = arith.constant 0.000000e+00 : f32
    %neg3A_294 = vector.broadcast %neg3A_293 : f32 to vector<256x32xf32>
    %neg3A_295 = arith.subf %neg3A_294, %slice3A_292 : vector<256x32xf32>
    %concatenate3A_296 = tpu.concatenate %neg3A_295, %slice3A_291 in 1 : vector<256x32xf32>, vector<256x32xf32> -> vector<256x64xf32>
    %mul3A_297 = arith.mulf %slice3A_273, %get3A_20 : vector<256x64xf32>
    %mul3A_298 = arith.mulf %concatenate3A_296, %get3A_23 : vector<256x64xf32>
    %add3A_299 = arith.addf %mul3A_297, %mul3A_298 : vector<256x64xf32>
    %convert_element_type3A_300 = arith.truncf %add3A_299 : vector<256x64xf32> to vector<256x64xbf16>
    %swap3A_301 = arith.constant 6 : index
    %swap3A_302 = arith.constant 0 : index
    %swap3A_303 = arith.constant 0 : index
    %swap3A_304 = vector.load %arg7[%swap3A_301, %swap3A_302, %swap3A_303] : memref<12x256x64xbf16, #tpu.memory_space<vmem>>, vector<1x256x64xbf16>
    %swap3A_305 = vector.shape_cast %swap3A_304 : vector<1x256x64xbf16> to vector<256x64xbf16>
    %swap3A_306 = vector.shape_cast %convert_element_type3A_300 : vector<256x64xbf16> to vector<1x256x64xbf16>
    tpu.vector_store %arg7[%swap3A_301, %swap3A_302, %swap3A_303], %swap3A_306 {strides = array<i32>} : memref<12x256x64xbf16, #tpu.memory_space<vmem>>, vector<1x256x64xbf16>,
    %convert_element_type3A_307 = arith.truncf %slice3A_274 : vector<256x64xf32> to vector<256x64xbf16>
    %swap3A_308 = arith.constant 6 : index
    %swap3A_309 = arith.constant 0 : index
    %swap3A_310 = arith.constant 0 : index
    %swap3A_311 = vector.load %arg8[%swap3A_308, %swap3A_309, %swap3A_310] : memref<12x256x64xbf16, #tpu.memory_space<vmem>>, vector<1x256x64xbf16>
    %swap3A_312 = vector.shape_cast %swap3A_311 : vector<1x256x64xbf16> to vector<256x64xbf16>
    %swap3A_313 = vector.shape_cast %convert_element_type3A_307 : vector<256x64xbf16> to vector<1x256x64xbf16>
    tpu.vector_store %arg8[%swap3A_308, %swap3A_309, %swap3A_310], %swap3A_313 {strides = array<i32>} : memref<12x256x64xbf16, #tpu.memory_space<vmem>>, vector<1x256x64xbf16>,
    %slice3A_314 = vector.extract_strided_slice %dot_general3A_17 {offsets = [0, 448], sizes = [256, 64], strides = [1, 1]} : vector<256x2304xf32> to vector<256x64xf32>
    %slice3A_315 = vector.extract_strided_slice %dot_general3A_17 {offsets = [0, 1216], sizes = [256, 64], strides = [1, 1]} : vector<256x2304xf32> to vector<256x64xf32>
    %slice3A_316 = vector.extract_strided_slice %dot_general3A_17 {offsets = [0, 1984], sizes = [256, 64], strides = [1, 1]} : vector<256x2304xf32> to vector<256x64xf32>
    %slice3A_317 = vector.extract_strided_slice %slice3A_314 {offsets = [0, 0], sizes = [256, 32], strides = [1, 1]} : vector<256x64xf32> to vector<256x32xf32>
    %slice3A_318 = vector.extract_strided_slice %slice3A_314 {offsets = [0, 32], sizes = [256, 32], strides = [1, 1]} : vector<256x64xf32> to vector<256x32xf32>
    %neg3A_319 = arith.constant 0.000000e+00 : f32
    %neg3A_320 = vector.broadcast %neg3A_319 : f32 to vector<256x32xf32>
    %neg3A_321 = arith.subf %neg3A_320, %slice3A_318 : vector<256x32xf32>
    %concatenate3A_322 = tpu.concatenate %neg3A_321, %slice3A_317 in 1 : vector<256x32xf32>, vector<256x32xf32> -> vector<256x64xf32>
    %mul3A_323 = arith.mulf %slice3A_314, %get3A_20 : vector<256x64xf32>
    %mul3A_324 = arith.mulf %concatenate3A_322, %get3A_23 : vector<256x64xf32>
    %add3A_325 = arith.addf %mul3A_323, %mul3A_324 : vector<256x64xf32>
    %convert_element_type3A_326 = arith.truncf %add3A_325 : vector<256x64xf32> to vector<256x64xbf16>
    %swap3A_327 = arith.constant 7 : index
    %swap3A_328 = arith.constant 0 : index
    %swap3A_329 = arith.constant 0 : index
    %swap3A_330 = vector.load %arg6[%swap3A_327, %swap3A_328, %swap3A_329] : memref<12x256x64xbf16, #tpu.memory_space<vmem>>, vector<1x256x64xbf16>
    %swap3A_331 = vector.shape_cast %swap3A_330 : vector<1x256x64xbf16> to vector<256x64xbf16>
    %swap3A_332 = vector.shape_cast %convert_element_type3A_326 : vector<256x64xbf16> to vector<1x256x64xbf16>
    tpu.vector_store %arg6[%swap3A_327, %swap3A_328, %swap3A_329], %swap3A_332 {strides = array<i32>} : memref<12x256x64xbf16, #tpu.memory_space<vmem>>, vector<1x256x64xbf16>,
    %slice3A_333 = vector.extract_strided_slice %slice3A_315 {offsets = [0, 0], sizes = [256, 32], strides = [1, 1]} : vector<256x64xf32> to vector<256x32xf32>
    %slice3A_334 = vector.extract_strided_slice %slice3A_315 {offsets = [0, 32], sizes = [256, 32], strides = [1, 1]} : vector<256x64xf32> to vector<256x32xf32>
    %neg3A_335 = arith.constant 0.000000e+00 : f32
    %neg3A_336 = vector.broadcast %neg3A_335 : f32 to vector<256x32xf32>
    %neg3A_337 = arith.subf %neg3A_336, %slice3A_334 : vector<256x32xf32>
    %concatenate3A_338 = tpu.concatenate %neg3A_337, %slice3A_333 in 1 : vector<256x32xf32>, vector<256x32xf32> -> vector<256x64xf32>
    %mul3A_339 = arith.mulf %slice3A_315, %get3A_20 : vector<256x64xf32>
    %mul3A_340 = arith.mulf %concatenate3A_338, %get3A_23 : vector<256x64xf32>
    %add3A_341 = arith.addf %mul3A_339, %mul3A_340 : vector<256x64xf32>
    %convert_element_type3A_342 = arith.truncf %add3A_341 : vector<256x64xf32> to vector<256x64xbf16>
    %swap3A_343 = arith.constant 7 : index
    %swap3A_344 = arith.constant 0 : index
    %swap3A_345 = arith.constant 0 : index
    %swap3A_346 = vector.load %arg7[%swap3A_343, %swap3A_344, %swap3A_345] : memref<12x256x64xbf16, #tpu.memory_space<vmem>>, vector<1x256x64xbf16>
    %swap3A_347 = vector.shape_cast %swap3A_346 : vector<1x256x64xbf16> to vector<256x64xbf16>
    %swap3A_348 = vector.shape_cast %convert_element_type3A_342 : vector<256x64xbf16> to vector<1x256x64xbf16>
    tpu.vector_store %arg7[%swap3A_343, %swap3A_344, %swap3A_345], %swap3A_348 {strides = array<i32>} : memref<12x256x64xbf16, #tpu.memory_space<vmem>>, vector<1x256x64xbf16>,
    %convert_element_type3A_349 = arith.truncf %slice3A_316 : vector<256x64xf32> to vector<256x64xbf16>
    %swap3A_350 = arith.constant 7 : index
    %swap3A_351 = arith.constant 0 : index
    %swap3A_352 = arith.constant 0 : index
    %swap3A_353 = vector.load %arg8[%swap3A_350, %swap3A_351, %swap3A_352] : memref<12x256x64xbf16, #tpu.memory_space<vmem>>, vector<1x256x64xbf16>
    %swap3A_354 = vector.shape_cast %swap3A_353 : vector<1x256x64xbf16> to vector<256x64xbf16>
    %swap3A_355 = vector.shape_cast %convert_element_type3A_349 : vector<256x64xbf16> to vector<1x256x64xbf16>
    tpu.vector_store %arg8[%swap3A_350, %swap3A_351, %swap3A_352], %swap3A_355 {strides = array<i32>} : memref<12x256x64xbf16, #tpu.memory_space<vmem>>, vector<1x256x64xbf16>,
    %slice3A_356 = vector.extract_strided_slice %dot_general3A_17 {offsets = [0, 512], sizes = [256, 64], strides = [1, 1]} : vector<256x2304xf32> to vector<256x64xf32>
    %slice3A_357 = vector.extract_strided_slice %dot_general3A_17 {offsets = [0, 1280], sizes = [256, 64], strides = [1, 1]} : vector<256x2304xf32> to vector<256x64xf32>
    %slice3A_358 = vector.extract_strided_slice %dot_general3A_17 {offsets = [0, 2048], sizes = [256, 64], strides = [1, 1]} : vector<256x2304xf32> to vector<256x64xf32>
    %slice3A_359 = vector.extract_strided_slice %slice3A_356 {offsets = [0, 0], sizes = [256, 32], strides = [1, 1]} : vector<256x64xf32> to vector<256x32xf32>
    %slice3A_360 = vector.extract_strided_slice %slice3A_356 {offsets = [0, 32], sizes = [256, 32], strides = [1, 1]} : vector<256x64xf32> to vector<256x32xf32>
    %neg3A_361 = arith.constant 0.000000e+00 : f32
    %neg3A_362 = vector.broadcast %neg3A_361 : f32 to vector<256x32xf32>
    %neg3A_363 = arith.subf %neg3A_362, %slice3A_360 : vector<256x32xf32>
    %concatenate3A_364 = tpu.concatenate %neg3A_363, %slice3A_359 in 1 : vector<256x32xf32>, vector<256x32xf32> -> vector<256x64xf32>
    %mul3A_365 = arith.mulf %slice3A_356, %get3A_20 : vector<256x64xf32>
    %mul3A_366 = arith.mulf %concatenate3A_364, %get3A_23 : vector<256x64xf32>
    %add3A_367 = arith.addf %mul3A_365, %mul3A_366 : vector<256x64xf32>
    %convert_element_type3A_368 = arith.truncf %add3A_367 : vector<256x64xf32> to vector<256x64xbf16>
    %swap3A_369 = arith.constant 8 : index
    %swap3A_370 = arith.constant 0 : index
    %swap3A_371 = arith.constant 0 : index
    %swap3A_372 = vector.load %arg6[%swap3A_369, %swap3A_370, %swap3A_371] : memref<12x256x64xbf16, #tpu.memory_space<vmem>>, vector<1x256x64xbf16>
    %swap3A_373 = vector.shape_cast %swap3A_372 : vector<1x256x64xbf16> to vector<256x64xbf16>
    %swap3A_374 = vector.shape_cast %convert_element_type3A_368 : vector<256x64xbf16> to vector<1x256x64xbf16>
    tpu.vector_store %arg6[%swap3A_369, %swap3A_370, %swap3A_371], %swap3A_374 {strides = array<i32>} : memref<12x256x64xbf16, #tpu.memory_space<vmem>>, vector<1x256x64xbf16>,
    %slice3A_375 = vector.extract_strided_slice %slice3A_357 {offsets = [0, 0], sizes = [256, 32], strides = [1, 1]} : vector<256x64xf32> to vector<256x32xf32>
    %slice3A_376 = vector.extract_strided_slice %slice3A_357 {offsets = [0, 32], sizes = [256, 32], strides = [1, 1]} : vector<256x64xf32> to vector<256x32xf32>
    %neg3A_377 = arith.constant 0.000000e+00 : f32
    %neg3A_378 = vector.broadcast %neg3A_377 : f32 to vector<256x32xf32>
    %neg3A_379 = arith.subf %neg3A_378, %slice3A_376 : vector<256x32xf32>
    %concatenate3A_380 = tpu.concatenate %neg3A_379, %slice3A_375 in 1 : vector<256x32xf32>, vector<256x32xf32> -> vector<256x64xf32>
    %mul3A_381 = arith.mulf %slice3A_357, %get3A_20 : vector<256x64xf32>
    %mul3A_382 = arith.mulf %concatenate3A_380, %get3A_23 : vector<256x64xf32>
    %add3A_383 = arith.addf %mul3A_381, %mul3A_382 : vector<256x64xf32>
    %convert_element_type3A_384 = arith.truncf %add3A_383 : vector<256x64xf32> to vector<256x64xbf16>
    %swap3A_385 = arith.constant 8 : index
    %swap3A_386 = arith.constant 0 : index
    %swap3A_387 = arith.constant 0 : index
    %swap3A_388 = vector.load %arg7[%swap3A_385, %swap3A_386, %swap3A_387] : memref<12x256x64xbf16, #tpu.memory_space<vmem>>, vector<1x256x64xbf16>
    %swap3A_389 = vector.shape_cast %swap3A_388 : vector<1x256x64xbf16> to vector<256x64xbf16>
    %swap3A_390 = vector.shape_cast %convert_element_type3A_384 : vector<256x64xbf16> to vector<1x256x64xbf16>
    tpu.vector_store %arg7[%swap3A_385, %swap3A_386, %swap3A_387], %swap3A_390 {strides = array<i32>} : memref<12x256x64xbf16, #tpu.memory_space<vmem>>, vector<1x256x64xbf16>,
    %convert_element_type3A_391 = arith.truncf %slice3A_358 : vector<256x64xf32> to vector<256x64xbf16>
    %swap3A_392 = arith.constant 8 : index
    %swap3A_393 = arith.constant 0 : index
    %swap3A_394 = arith.constant 0 : index
    %swap3A_395 = vector.load %arg8[%swap3A_392, %swap3A_393, %swap3A_394] : memref<12x256x64xbf16, #tpu.memory_space<vmem>>, vector<1x256x64xbf16>
    %swap3A_396 = vector.shape_cast %swap3A_395 : vector<1x256x64xbf16> to vector<256x64xbf16>
    %swap3A_397 = vector.shape_cast %convert_element_type3A_391 : vector<256x64xbf16> to vector<1x256x64xbf16>
    tpu.vector_store %arg8[%swap3A_392, %swap3A_393, %swap3A_394], %swap3A_397 {strides = array<i32>} : memref<12x256x64xbf16, #tpu.memory_space<vmem>>, vector<1x256x64xbf16>,
    %slice3A_398 = vector.extract_strided_slice %dot_general3A_17 {offsets = [0, 576], sizes = [256, 64], strides = [1, 1]} : vector<256x2304xf32> to vector<256x64xf32>
    %slice3A_399 = vector.extract_strided_slice %dot_general3A_17 {offsets = [0, 1344], sizes = [256, 64], strides = [1, 1]} : vector<256x2304xf32> to vector<256x64xf32>
    %slice3A_400 = vector.extract_strided_slice %dot_general3A_17 {offsets = [0, 2112], sizes = [256, 64], strides = [1, 1]} : vector<256x2304xf32> to vector<256x64xf32>
    %slice3A_401 = vector.extract_strided_slice %slice3A_398 {offsets = [0, 0], sizes = [256, 32], strides = [1, 1]} : vector<256x64xf32> to vector<256x32xf32>
    %slice3A_402 = vector.extract_strided_slice %slice3A_398 {offsets = [0, 32], sizes = [256, 32], strides = [1, 1]} : vector<256x64xf32> to vector<256x32xf32>
    %neg3A_403 = arith.constant 0.000000e+00 : f32
    %neg3A_404 = vector.broadcast %neg3A_403 : f32 to vector<256x32xf32>
    %neg3A_405 = arith.subf %neg3A_404, %slice3A_402 : vector<256x32xf32>
    %concatenate3A_406 = tpu.concatenate %neg3A_405, %slice3A_401 in 1 : vector<256x32xf32>, vector<256x32xf32> -> vector<256x64xf32>
    %mul3A_407 = arith.mulf %slice3A_398, %get3A_20 : vector<256x64xf32>
    %mul3A_408 = arith.mulf %concatenate3A_406, %get3A_23 : vector<256x64xf32>
    %add3A_409 = arith.addf %mul3A_407, %mul3A_408 : vector<256x64xf32>
    %convert_element_type3A_410 = arith.truncf %add3A_409 : vector<256x64xf32> to vector<256x64xbf16>
    %swap3A_411 = arith.constant 9 : index
    %swap3A_412 = arith.constant 0 : index
    %swap3A_413 = arith.constant 0 : index
    %swap3A_414 = vector.load %arg6[%swap3A_411, %swap3A_412, %swap3A_413] : memref<12x256x64xbf16, #tpu.memory_space<vmem>>, vector<1x256x64xbf16>
    %swap3A_415 = vector.shape_cast %swap3A_414 : vector<1x256x64xbf16> to vector<256x64xbf16>
    %swap3A_416 = vector.shape_cast %convert_element_type3A_410 : vector<256x64xbf16> to vector<1x256x64xbf16>
    tpu.vector_store %arg6[%swap3A_411, %swap3A_412, %swap3A_413], %swap3A_416 {strides = array<i32>} : memref<12x256x64xbf16, #tpu.memory_space<vmem>>, vector<1x256x64xbf16>,
    %slice3A_417 = vector.extract_strided_slice %slice3A_399 {offsets = [0, 0], sizes = [256, 32], strides = [1, 1]} : vector<256x64xf32> to vector<256x32xf32>
    %slice3A_418 = vector.extract_strided_slice %slice3A_399 {offsets = [0, 32], sizes = [256, 32], strides = [1, 1]} : vector<256x64xf32> to vector<256x32xf32>
    %neg3A_419 = arith.constant 0.000000e+00 : f32
    %neg3A_420 = vector.broadcast %neg3A_419 : f32 to vector<256x32xf32>
    %neg3A_421 = arith.subf %neg3A_420, %slice3A_418 : vector<256x32xf32>
    %concatenate3A_422 = tpu.concatenate %neg3A_421, %slice3A_417 in 1 : vector<256x32xf32>, vector<256x32xf32> -> vector<256x64xf32>
    %mul3A_423 = arith.mulf %slice3A_399, %get3A_20 : vector<256x64xf32>
    %mul3A_424 = arith.mulf %concatenate3A_422, %get3A_23 : vector<256x64xf32>
    %add3A_425 = arith.addf %mul3A_423, %mul3A_424 : vector<256x64xf32>
    %convert_element_type3A_426 = arith.truncf %add3A_425 : vector<256x64xf32> to vector<256x64xbf16>
    %swap3A_427 = arith.constant 9 : index
    %swap3A_428 = arith.constant 0 : index
    %swap3A_429 = arith.constant 0 : index
    %swap3A_430 = vector.load %arg7[%swap3A_427, %swap3A_428, %swap3A_429] : memref<12x256x64xbf16, #tpu.memory_space<vmem>>, vector<1x256x64xbf16>
    %swap3A_431 = vector.shape_cast %swap3A_430 : vector<1x256x64xbf16> to vector<256x64xbf16>
    %swap3A_432 = vector.shape_cast %convert_element_type3A_426 : vector<256x64xbf16> to vector<1x256x64xbf16>
    tpu.vector_store %arg7[%swap3A_427, %swap3A_428, %swap3A_429], %swap3A_432 {strides = array<i32>} : memref<12x256x64xbf16, #tpu.memory_space<vmem>>, vector<1x256x64xbf16>,
    %convert_element_type3A_433 = arith.truncf %slice3A_400 : vector<256x64xf32> to vector<256x64xbf16>
    %swap3A_434 = arith.constant 9 : index
    %swap3A_435 = arith.constant 0 : index
    %swap3A_436 = arith.constant 0 : index
    %swap3A_437 = vector.load %arg8[%swap3A_434, %swap3A_435, %swap3A_436] : memref<12x256x64xbf16, #tpu.memory_space<vmem>>, vector<1x256x64xbf16>
    %swap3A_438 = vector.shape_cast %swap3A_437 : vector<1x256x64xbf16> to vector<256x64xbf16>
    %swap3A_439 = vector.shape_cast %convert_element_type3A_433 : vector<256x64xbf16> to vector<1x256x64xbf16>
    tpu.vector_store %arg8[%swap3A_434, %swap3A_435, %swap3A_436], %swap3A_439 {strides = array<i32>} : memref<12x256x64xbf16, #tpu.memory_space<vmem>>, vector<1x256x64xbf16>,
    %slice3A_440 = vector.extract_strided_slice %dot_general3A_17 {offsets = [0, 640], sizes = [256, 64], strides = [1, 1]} : vector<256x2304xf32> to vector<256x64xf32>
    %slice3A_441 = vector.extract_strided_slice %dot_general3A_17 {offsets = [0, 1408], sizes = [256, 64], strides = [1, 1]} : vector<256x2304xf32> to vector<256x64xf32>
    %slice3A_442 = vector.extract_strided_slice %dot_general3A_17 {offsets = [0, 2176], sizes = [256, 64], strides = [1, 1]} : vector<256x2304xf32> to vector<256x64xf32>
    %slice3A_443 = vector.extract_strided_slice %slice3A_440 {offsets = [0, 0], sizes = [256, 32], strides = [1, 1]} : vector<256x64xf32> to vector<256x32xf32>
    %slice3A_444 = vector.extract_strided_slice %slice3A_440 {offsets = [0, 32], sizes = [256, 32], strides = [1, 1]} : vector<256x64xf32> to vector<256x32xf32>
    %neg3A_445 = arith.constant 0.000000e+00 : f32
    %neg3A_446 = vector.broadcast %neg3A_445 : f32 to vector<256x32xf32>
    %neg3A_447 = arith.subf %neg3A_446, %slice3A_444 : vector<256x32xf32>
    %concatenate3A_448 = tpu.concatenate %neg3A_447, %slice3A_443 in 1 : vector<256x32xf32>, vector<256x32xf32> -> vector<256x64xf32>
    %mul3A_449 = arith.mulf %slice3A_440, %get3A_20 : vector<256x64xf32>
    %mul3A_450 = arith.mulf %concatenate3A_448, %get3A_23 : vector<256x64xf32>
    %add3A_451 = arith.addf %mul3A_449, %mul3A_450 : vector<256x64xf32>
    %convert_element_type3A_452 = arith.truncf %add3A_451 : vector<256x64xf32> to vector<256x64xbf16>
    %swap3A_453 = arith.constant 10 : index
    %swap3A_454 = arith.constant 0 : index
    %swap3A_455 = arith.constant 0 : index
    %swap3A_456 = vector.load %arg6[%swap3A_453, %swap3A_454, %swap3A_455] : memref<12x256x64xbf16, #tpu.memory_space<vmem>>, vector<1x256x64xbf16>
    %swap3A_457 = vector.shape_cast %swap3A_456 : vector<1x256x64xbf16> to vector<256x64xbf16>
    %swap3A_458 = vector.shape_cast %convert_element_type3A_452 : vector<256x64xbf16> to vector<1x256x64xbf16>
    tpu.vector_store %arg6[%swap3A_453, %swap3A_454, %swap3A_455], %swap3A_458 {strides = array<i32>} : memref<12x256x64xbf16, #tpu.memory_space<vmem>>, vector<1x256x64xbf16>,
    %slice3A_459 = vector.extract_strided_slice %slice3A_441 {offsets = [0, 0], sizes = [256, 32], strides = [1, 1]} : vector<256x64xf32> to vector<256x32xf32>
    %slice3A_460 = vector.extract_strided_slice %slice3A_441 {offsets = [0, 32], sizes = [256, 32], strides = [1, 1]} : vector<256x64xf32> to vector<256x32xf32>
    %neg3A_461 = arith.constant 0.000000e+00 : f32
    %neg3A_462 = vector.broadcast %neg3A_461 : f32 to vector<256x32xf32>
    %neg3A_463 = arith.subf %neg3A_462, %slice3A_460 : vector<256x32xf32>
    %concatenate3A_464 = tpu.concatenate %neg3A_463, %slice3A_459 in 1 : vector<256x32xf32>, vector<256x32xf32> -> vector<256x64xf32>
    %mul3A_465 = arith.mulf %slice3A_441, %get3A_20 : vector<256x64xf32>
    %mul3A_466 = arith.mulf %concatenate3A_464, %get3A_23 : vector<256x64xf32>
    %add3A_467 = arith.addf %mul3A_465, %mul3A_466 : vector<256x64xf32>
    %convert_element_type3A_468 = arith.truncf %add3A_467 : vector<256x64xf32> to vector<256x64xbf16>
    %swap3A_469 = arith.constant 10 : index
    %swap3A_470 = arith.constant 0 : index
    %swap3A_471 = arith.constant 0 : index
    %swap3A_472 = vector.load %arg7[%swap3A_469, %swap3A_470, %swap3A_471] : memref<12x256x64xbf16, #tpu.memory_space<vmem>>, vector<1x256x64xbf16>
    %swap3A_473 = vector.shape_cast %swap3A_472 : vector<1x256x64xbf16> to vector<256x64xbf16>
    %swap3A_474 = vector.shape_cast %convert_element_type3A_468 : vector<256x64xbf16> to vector<1x256x64xbf16>
    tpu.vector_store %arg7[%swap3A_469, %swap3A_470, %swap3A_471], %swap3A_474 {strides = array<i32>} : memref<12x256x64xbf16, #tpu.memory_space<vmem>>, vector<1x256x64xbf16>,
    %convert_element_type3A_475 = arith.truncf %slice3A_442 : vector<256x64xf32> to vector<256x64xbf16>
    %swap3A_476 = arith.constant 10 : index
    %swap3A_477 = arith.constant 0 : index
    %swap3A_478 = arith.constant 0 : index
    %swap3A_479 = vector.load %arg8[%swap3A_476, %swap3A_477, %swap3A_478] : memref<12x256x64xbf16, #tpu.memory_space<vmem>>, vector<1x256x64xbf16>
    %swap3A_480 = vector.shape_cast %swap3A_479 : vector<1x256x64xbf16> to vector<256x64xbf16>
    %swap3A_481 = vector.shape_cast %convert_element_type3A_475 : vector<256x64xbf16> to vector<1x256x64xbf16>
    tpu.vector_store %arg8[%swap3A_476, %swap3A_477, %swap3A_478], %swap3A_481 {strides = array<i32>} : memref<12x256x64xbf16, #tpu.memory_space<vmem>>, vector<1x256x64xbf16>,
    %slice3A_482 = vector.extract_strided_slice %dot_general3A_17 {offsets = [0, 704], sizes = [256, 64], strides = [1, 1]} : vector<256x2304xf32> to vector<256x64xf32>
    %slice3A_483 = vector.extract_strided_slice %dot_general3A_17 {offsets = [0, 1472], sizes = [256, 64], strides = [1, 1]} : vector<256x2304xf32> to vector<256x64xf32>
    %slice3A_484 = vector.extract_strided_slice %dot_general3A_17 {offsets = [0, 2240], sizes = [256, 64], strides = [1, 1]} : vector<256x2304xf32> to vector<256x64xf32>
    %slice3A_485 = vector.extract_strided_slice %slice3A_482 {offsets = [0, 0], sizes = [256, 32], strides = [1, 1]} : vector<256x64xf32> to vector<256x32xf32>
    %slice3A_486 = vector.extract_strided_slice %slice3A_482 {offsets = [0, 32], sizes = [256, 32], strides = [1, 1]} : vector<256x64xf32> to vector<256x32xf32>
    %neg3A_487 = arith.constant 0.000000e+00 : f32
    %neg3A_488 = vector.broadcast %neg3A_487 : f32 to vector<256x32xf32>
    %neg3A_489 = arith.subf %neg3A_488, %slice3A_486 : vector<256x32xf32>
    %concatenate3A_490 = tpu.concatenate %neg3A_489, %slice3A_485 in 1 : vector<256x32xf32>, vector<256x32xf32> -> vector<256x64xf32>
    %mul3A_491 = arith.mulf %slice3A_482, %get3A_20 : vector<256x64xf32>
    %mul3A_492 = arith.mulf %concatenate3A_490, %get3A_23 : vector<256x64xf32>
    %add3A_493 = arith.addf %mul3A_491, %mul3A_492 : vector<256x64xf32>
    %convert_element_type3A_494 = arith.truncf %add3A_493 : vector<256x64xf32> to vector<256x64xbf16>
    %swap3A_495 = arith.constant 11 : index
    %swap3A_496 = arith.constant 0 : index
    %swap3A_497 = arith.constant 0 : index
    %swap3A_498 = vector.load %arg6[%swap3A_495, %swap3A_496, %swap3A_497] : memref<12x256x64xbf16, #tpu.memory_space<vmem>>, vector<1x256x64xbf16>
    %swap3A_499 = vector.shape_cast %swap3A_498 : vector<1x256x64xbf16> to vector<256x64xbf16>
    %swap3A_500 = vector.shape_cast %convert_element_type3A_494 : vector<256x64xbf16> to vector<1x256x64xbf16>
    tpu.vector_store %arg6[%swap3A_495, %swap3A_496, %swap3A_497], %swap3A_500 {strides = array<i32>} : memref<12x256x64xbf16, #tpu.memory_space<vmem>>, vector<1x256x64xbf16>,
    %slice3A_501 = vector.extract_strided_slice %slice3A_483 {offsets = [0, 0], sizes = [256, 32], strides = [1, 1]} : vector<256x64xf32> to vector<256x32xf32>
    %slice3A_502 = vector.extract_strided_slice %slice3A_483 {offsets = [0, 32], sizes = [256, 32], strides = [1, 1]} : vector<256x64xf32> to vector<256x32xf32>
    %neg3A_503 = arith.constant 0.000000e+00 : f32
    %neg3A_504 = vector.broadcast %neg3A_503 : f32 to vector<256x32xf32>
    %neg3A_505 = arith.subf %neg3A_504, %slice3A_502 : vector<256x32xf32>
    %concatenate3A_506 = tpu.concatenate %neg3A_505, %slice3A_501 in 1 : vector<256x32xf32>, vector<256x32xf32> -> vector<256x64xf32>
    %mul3A_507 = arith.mulf %slice3A_483, %get3A_20 : vector<256x64xf32>
    %mul3A_508 = arith.mulf %concatenate3A_506, %get3A_23 : vector<256x64xf32>
    %add3A_509 = arith.addf %mul3A_507, %mul3A_508 : vector<256x64xf32>
    %convert_element_type3A_510 = arith.truncf %add3A_509 : vector<256x64xf32> to vector<256x64xbf16>
    %swap3A_511 = arith.constant 11 : index
    %swap3A_512 = arith.constant 0 : index
    %swap3A_513 = arith.constant 0 : index
    %swap3A_514 = vector.load %arg7[%swap3A_511, %swap3A_512, %swap3A_513] : memref<12x256x64xbf16, #tpu.memory_space<vmem>>, vector<1x256x64xbf16>
    %swap3A_515 = vector.shape_cast %swap3A_514 : vector<1x256x64xbf16> to vector<256x64xbf16>
    %swap3A_516 = vector.shape_cast %convert_element_type3A_510 : vector<256x64xbf16> to vector<1x256x64xbf16>
    tpu.vector_store %arg7[%swap3A_511, %swap3A_512, %swap3A_513], %swap3A_516 {strides = array<i32>} : memref<12x256x64xbf16, #tpu.memory_space<vmem>>, vector<1x256x64xbf16>,
    %convert_element_type3A_517 = arith.truncf %slice3A_484 : vector<256x64xf32> to vector<256x64xbf16>
    %swap3A_518 = arith.constant 11 : index
    %swap3A_519 = arith.constant 0 : index
    %swap3A_520 = arith.constant 0 : index
    %swap3A_521 = vector.load %arg8[%swap3A_518, %swap3A_519, %swap3A_520] : memref<12x256x64xbf16, #tpu.memory_space<vmem>>, vector<1x256x64xbf16>
    %swap3A_522 = vector.shape_cast %swap3A_521 : vector<1x256x64xbf16> to vector<256x64xbf16>
    %swap3A_523 = vector.shape_cast %convert_element_type3A_517 : vector<256x64xbf16> to vector<1x256x64xbf16>
    tpu.vector_store %arg8[%swap3A_518, %swap3A_519, %swap3A_520], %swap3A_523 {strides = array<i32>} : memref<12x256x64xbf16, #tpu.memory_space<vmem>>, vector<1x256x64xbf16>,
    return
  }
  func.func @transform_0(%arg0: i32) -> (i32, i32) {
    %c0_i32 = arith.constant 0 : i32
    %c0_i32_0 = arith.constant 0 : i32
    return %arg0, %c0_i32 : i32, i32
  }
  func.func @transform_1(%arg0: i32) -> (i32, i32) {
    %c0_i32 = arith.constant 0 : i32
    %c0_i32_0 = arith.constant 0 : i32
    %c0_i32_1 = arith.constant 0 : i32
    return %c0_i32, %c0_i32_0 : i32, i32
  }
  func.func @transform_2(%arg0: i32) -> (i32, i32) {
    %c0_i32 = arith.constant 0 : i32
    %c0_i32_0 = arith.constant 0 : i32
    %c0_i32_1 = arith.constant 0 : i32
    return %c0_i32, %c0_i32_0 : i32, i32
  }
  func.func @transform_3(%arg0: i32) -> (i32, i32) {
    %c0_i32 = arith.constant 0 : i32
    %c0_i32_0 = arith.constant 0 : i32
    return %arg0, %c0_i32 : i32, i32
  }
  func.func @transform_4(%arg0: i32) -> (i32, i32) {
    %c0_i32 = arith.constant 0 : i32
    %c0_i32_0 = arith.constant 0 : i32
    return %arg0, %c0_i32 : i32, i32
  }
  func.func @transform_5(%arg0: i32) -> (i32, i32, i32) {
    %c0_i32 = arith.constant 0 : i32
    %c0_i32_0 = arith.constant 0 : i32
    %c0_i32_1 = arith.constant 0 : i32
    return %c0_i32, %arg0, %c0_i32_0 : i32, i32, i32
  }
  func.func @transform_6(%arg0: i32) -> (i32, i32, i32) {
    %c0_i32 = arith.constant 0 : i32
    %c0_i32_0 = arith.constant 0 : i32
    %c0_i32_1 = arith.constant 0 : i32
    return %c0_i32, %arg0, %c0_i32_0 : i32, i32, i32
  }
  func.func @transform_7(%arg0: i32) -> (i32, i32, i32) {
    %c0_i32 = arith.constant 0 : i32
    %c0_i32_0 = arith.constant 0 : i32
    %c0_i32_1 = arith.constant 0 : i32
    return %c0_i32, %arg0, %c0_i32_0 : i32, i32, i32
  }
}

module attributes {stable_mosaic.version = 14 : i64} {
  func.func @_attn_body(%arg0: i32, %arg1: i32, %arg2: memref<1x256x64xbf16, #tpu.memory_space<vmem>>, %arg3: memref<1x1024x64xbf16, #tpu.memory_space<vmem>>, %arg4: memref<1x1024x64xbf16, #tpu.memory_space<vmem>>, %arg5: memref<1x256x64xbf16, #tpu.memory_space<vmem>>) attributes {dimension_semantics = [#tpu.dimension_semantics<arbitrary>, #tpu.dimension_semantics<arbitrary>], iteration_bounds = array<i64: 12, 4>, scalar_prefetch = 0 : i64, scratch_operands = 0 : i64, tpu.core_type = #tpu.core_type<tc>, window_params = [{transform_indices = @transform_0, window_bounds = array<i64: 1, 256, 64>}, {transform_indices = @transform_1, window_bounds = array<i64: 1, 1024, 64>}, {transform_indices = @transform_2, window_bounds = array<i64: 1, 1024, 64>}, {transform_indices = @transform_3, window_bounds = array<i64: 1, 256, 64>}]} {
    %add3A = arith.constant 0 : i32
    %add3A_0 = arith.addi %arg1, %add3A : i32
    %get3A = arith.constant 0 : index
    %get3A_1 = arith.constant 0 : index
    %get3A_2 = arith.constant 0 : index
    %get3A_3 = vector.load %arg2[%get3A, %get3A_1, %get3A_2] : memref<1x256x64xbf16, #tpu.memory_space<vmem>>, vector<1x256x64xbf16>
    %get3A_4 = vector.shape_cast %get3A_3 : vector<1x256x64xbf16> to vector<256x64xbf16>
    %get3A_5 = arith.constant 0 : index
    %get3A_6 = arith.constant 0 : index
    %get3A_7 = arith.constant 0 : index
    %get3A_8 = vector.load %arg3[%get3A_5, %get3A_6, %get3A_7] : memref<1x1024x64xbf16, #tpu.memory_space<vmem>>, vector<1x1024x64xbf16>
    %get3A_9 = vector.shape_cast %get3A_8 : vector<1x1024x64xbf16> to vector<1024x64xbf16>
    %dot_general3A = arith.constant dense<0.000000e+00> : vector<256x1024xf32>
    %dot_general3A_10 = tpu.matmul %get3A_4, %get3A_9, %dot_general3A {dimension_numbers = #tpu.dot_dimension_numbers<[1], [1], [0], [0], [0, 0, 1, 0], [], []>, transpose_lhs_hint = false} : vector<256x64xbf16>, vector<1024x64xbf16>, vector<256x1024xf32> -> vector<256x1024xf32>
    %mul3A = arith.constant 1.250000e-01 : f32
    %mul3A_11 = vector.broadcast %mul3A : f32 to vector<256x1024xf32>
    %mul3A_12 = arith.mulf %dot_general3A_10, %mul3A_11 : vector<256x1024xf32>
    %iota3A = tpu.iota {dimensions = array<i32: 0>} : vector<256x1024xi32>
    %mul3A_13 = arith.constant 256 : i32
    %mul3A_14 = arith.muli %add3A_0, %mul3A_13 : i32
    %add3A_15 = vector.broadcast %mul3A_14 : i32 to vector<256x1024xi32>
    %add3A_16 = arith.addi %iota3A, %add3A_15 : vector<256x1024xi32>
    %iota3A_17 = tpu.iota {dimensions = array<i32: 1>} : vector<256x1024xi32>
    %le3A = arith.cmpi sle, %iota3A_17, %add3A_16 : vector<256x1024xi32>
    %jit3A = arith.constant -1.000000e+30 : f32
    %broadcast_in_dim3A = vector.broadcast %jit3A : f32 to vector<256x1024xf32>
    %select_n3A = arith.select %le3A, %mul3A_12, %broadcast_in_dim3A : vector<256x1024xi1>, vector<256x1024xf32>
    %reduce_max3A = arith.constant dense<0xFF800000> : vector<256xf32>
    %reduce_max3A_18 = vector.multi_reduction <maximumf>, %select_n3A, %reduce_max3A [1] : vector<256x1024xf32> to vector<256xf32>
    %broadcast_in_dim3A_19 = vector.shape_cast %reduce_max3A_18 : vector<256xf32> to vector<256x1xf32>
    %sub3A = vector.broadcast %broadcast_in_dim3A_19 : vector<256x1xf32> to vector<256x1024xf32>
    %sub3A_20 = arith.subf %select_n3A, %sub3A : vector<256x1024xf32>
    %exp3A = math.exp %sub3A_20 : vector<256x1024xf32>
    %reduce_sum3A = arith.constant dense<0.000000e+00> : vector<256xf32>
    %reduce_sum3A_21 = vector.multi_reduction <add>, %exp3A, %reduce_sum3A [1] : vector<256x1024xf32> to vector<256xf32>
    %broadcast_in_dim3A_22 = vector.shape_cast %reduce_sum3A_21 : vector<256xf32> to vector<256x1xf32>
    %convert_element_type3A = arith.truncf %exp3A : vector<256x1024xf32> to vector<256x1024xbf16>
    %get3A_23 = arith.constant 0 : index
    %get3A_24 = arith.constant 0 : index
    %get3A_25 = arith.constant 0 : index
    %get3A_26 = vector.load %arg4[%get3A_23, %get3A_24, %get3A_25] : memref<1x1024x64xbf16, #tpu.memory_space<vmem>>, vector<1x1024x64xbf16>
    %get3A_27 = vector.shape_cast %get3A_26 : vector<1x1024x64xbf16> to vector<1024x64xbf16>
    %dot_general3A_28 = arith.constant dense<0.000000e+00> : vector<256x64xf32>
    %dot_general3A_29 = tpu.matmul %convert_element_type3A, %get3A_27, %dot_general3A_28 {dimension_numbers = #tpu.dot_dimension_numbers<[1], [0], [0], [1], [0, 0, 1, 1], [], []>, transpose_lhs_hint = false} : vector<256x1024xbf16>, vector<1024x64xbf16>, vector<256x64xf32> -> vector<256x64xf32>
    %div3A = vector.broadcast %broadcast_in_dim3A_22 : vector<256x1xf32> to vector<256x64xf32>
    %div3A_30 = arith.divf %dot_general3A_29, %div3A : vector<256x64xf32>
    %convert_element_type3A_31 = arith.truncf %div3A_30 : vector<256x64xf32> to vector<256x64xbf16>
    %swap3A = arith.constant 0 : index
    %swap3A_32 = arith.constant 0 : index
    %swap3A_33 = arith.constant 0 : index
    %swap3A_34 = vector.load %arg5[%swap3A, %swap3A_32, %swap3A_33] : memref<1x256x64xbf16, #tpu.memory_space<vmem>>, vector<1x256x64xbf16>
    %swap3A_35 = vector.shape_cast %swap3A_34 : vector<1x256x64xbf16> to vector<256x64xbf16>
    %swap3A_36 = vector.shape_cast %convert_element_type3A_31 : vector<256x64xbf16> to vector<1x256x64xbf16>
    tpu.vector_store %arg5[%swap3A, %swap3A_32, %swap3A_33], %swap3A_36 {strides = array<i32>} : memref<1x256x64xbf16, #tpu.memory_space<vmem>>, vector<1x256x64xbf16>,
    return
  }
  func.func @transform_0(%arg0: i32, %arg1: i32) -> (i32, i32, i32) {
    %c0_i32 = arith.constant 0 : i32
    %c0_i32_0 = arith.constant 0 : i32
    return %arg0, %arg1, %c0_i32 : i32, i32, i32
  }
  func.func @transform_1(%arg0: i32, %arg1: i32) -> (i32, i32, i32) {
    %c0_i32 = arith.constant 0 : i32
    %c0_i32_0 = arith.constant 0 : i32
    %c0_i32_1 = arith.constant 0 : i32
    return %arg0, %c0_i32, %c0_i32_0 : i32, i32, i32
  }
  func.func @transform_2(%arg0: i32, %arg1: i32) -> (i32, i32, i32) {
    %c0_i32 = arith.constant 0 : i32
    %c0_i32_0 = arith.constant 0 : i32
    %c0_i32_1 = arith.constant 0 : i32
    return %arg0, %c0_i32, %c0_i32_0 : i32, i32, i32
  }
  func.func @transform_3(%arg0: i32, %arg1: i32) -> (i32, i32, i32) {
    %c0_i32 = arith.constant 0 : i32
    %c0_i32_0 = arith.constant 0 : i32
    return %arg0, %arg1, %c0_i32 : i32, i32, i32
  }
}

module attributes {stable_mosaic.version = 14 : i64} {
  func.func @wrapped(%arg0: i32, %arg1: i32, %arg2: memref<12x2048x64xbf16, #tpu.memory_space<any>>, %arg3: memref<1x256x64xbf16, #tpu.memory_space<vmem>>, %arg4: memref<1x2048x64xbf16, #tpu.memory_space<vmem>>, %arg5: memref<1x2048x64xbf16, #tpu.memory_space<vmem>>, %arg6: memref<1x256x64xbf16, #tpu.memory_space<vmem>>) attributes {dimension_semantics = [#tpu.dimension_semantics<arbitrary>, #tpu.dimension_semantics<arbitrary>], iteration_bounds = array<i64: 12, 4>, scalar_prefetch = 0 : i64, scratch_operands = 0 : i64, tpu.core_type = #tpu.core_type<tc>, window_params = [{}, {transform_indices = @transform_1, window_bounds = array<i64: 1, 256, 64>}, {transform_indices = @transform_2, window_bounds = array<i64: 1, 2048, 64>}, {transform_indices = @transform_3, window_bounds = array<i64: 1, 2048, 64>}, {transform_indices = @transform_4, window_bounds = array<i64: 1, 256, 64>}]} {
    %add3A = arith.constant 4 : i32
    %add3A_0 = arith.addi %arg1, %add3A : i32
    %get3A = arith.constant 0 : index
    %get3A_1 = arith.constant 0 : index
    %get3A_2 = arith.constant 0 : index
    %get3A_3 = vector.load %arg3[%get3A, %get3A_1, %get3A_2] : memref<1x256x64xbf16, #tpu.memory_space<vmem>>, vector<1x256x64xbf16>
    %get3A_4 = vector.shape_cast %get3A_3 : vector<1x256x64xbf16> to vector<256x64xbf16>
    %get3A_5 = arith.constant 0 : index
    %get3A_6 = arith.constant 0 : index
    %get3A_7 = arith.constant 0 : index
    %get3A_8 = vector.load %arg4[%get3A_5, %get3A_6, %get3A_7] : memref<1x2048x64xbf16, #tpu.memory_space<vmem>>, vector<1x2048x64xbf16>
    %get3A_9 = vector.shape_cast %get3A_8 : vector<1x2048x64xbf16> to vector<2048x64xbf16>
    %dot_general3A = arith.constant dense<0.000000e+00> : vector<256x2048xf32>
    %dot_general3A_10 = tpu.matmul %get3A_4, %get3A_9, %dot_general3A {dimension_numbers = #tpu.dot_dimension_numbers<[1], [1], [0], [0], [0, 0, 1, 0], [], []>, transpose_lhs_hint = false} : vector<256x64xbf16>, vector<2048x64xbf16>, vector<256x2048xf32> -> vector<256x2048xf32>
    %mul3A = arith.constant 1.250000e-01 : f32
    %mul3A_11 = vector.broadcast %mul3A : f32 to vector<256x2048xf32>
    %mul3A_12 = arith.mulf %dot_general3A_10, %mul3A_11 : vector<256x2048xf32>
    %iota3A = tpu.iota {dimensions = array<i32: 0>} : vector<256x2048xi32>
    %mul3A_13 = arith.constant 256 : i32
    %mul3A_14 = arith.muli %add3A_0, %mul3A_13 : i32
    %add3A_15 = vector.broadcast %mul3A_14 : i32 to vector<256x2048xi32>
    %add3A_16 = arith.addi %iota3A, %add3A_15 : vector<256x2048xi32>
    %iota3A_17 = tpu.iota {dimensions = array<i32: 1>} : vector<256x2048xi32>
    %le3A = arith.cmpi sle, %iota3A_17, %add3A_16 : vector<256x2048xi32>
    %jit3A = arith.constant -1.000000e+30 : f32
    %broadcast_in_dim3A = vector.broadcast %jit3A : f32 to vector<256x2048xf32>
    %select_n3A = arith.select %le3A, %mul3A_12, %broadcast_in_dim3A : vector<256x2048xi1>, vector<256x2048xf32>
    %reduce_max3A = arith.constant dense<0xFF800000> : vector<256xf32>
    %reduce_max3A_18 = vector.multi_reduction <maximumf>, %select_n3A, %reduce_max3A [1] : vector<256x2048xf32> to vector<256xf32>
    %broadcast_in_dim3A_19 = vector.shape_cast %reduce_max3A_18 : vector<256xf32> to vector<256x1xf32>
    %sub3A = vector.broadcast %broadcast_in_dim3A_19 : vector<256x1xf32> to vector<256x2048xf32>
    %sub3A_20 = arith.subf %select_n3A, %sub3A : vector<256x2048xf32>
    %exp3A = math.exp %sub3A_20 : vector<256x2048xf32>
    %reduce_sum3A = arith.constant dense<0.000000e+00> : vector<256xf32>
    %reduce_sum3A_21 = vector.multi_reduction <add>, %exp3A, %reduce_sum3A [1] : vector<256x2048xf32> to vector<256xf32>
    %broadcast_in_dim3A_22 = vector.shape_cast %reduce_sum3A_21 : vector<256xf32> to vector<256x1xf32>
    %convert_element_type3A = arith.truncf %exp3A : vector<256x2048xf32> to vector<256x2048xbf16>
    %get3A_23 = arith.constant 0 : index
    %get3A_24 = arith.constant 0 : index
    %get3A_25 = arith.constant 0 : index
    %get3A_26 = vector.load %arg5[%get3A_23, %get3A_24, %get3A_25] : memref<1x2048x64xbf16, #tpu.memory_space<vmem>>, vector<1x2048x64xbf16>
    %get3A_27 = vector.shape_cast %get3A_26 : vector<1x2048x64xbf16> to vector<2048x64xbf16>
    %dot_general3A_28 = arith.constant dense<0.000000e+00> : vector<256x64xf32>
    %dot_general3A_29 = tpu.matmul %convert_element_type3A, %get3A_27, %dot_general3A_28 {dimension_numbers = #tpu.dot_dimension_numbers<[1], [0], [0], [1], [0, 0, 1, 1], [], []>, transpose_lhs_hint = false} : vector<256x2048xbf16>, vector<2048x64xbf16>, vector<256x64xf32> -> vector<256x64xf32>
    %div3A = vector.broadcast %broadcast_in_dim3A_22 : vector<256x1xf32> to vector<256x64xf32>
    %div3A_30 = arith.divf %dot_general3A_29, %div3A : vector<256x64xf32>
    %convert_element_type3A_31 = arith.truncf %div3A_30 : vector<256x64xf32> to vector<256x64xbf16>
    %swap3A = arith.constant 0 : index
    %swap3A_32 = arith.constant 0 : index
    %swap3A_33 = arith.constant 0 : index
    %swap3A_34 = vector.load %arg6[%swap3A, %swap3A_32, %swap3A_33] : memref<1x256x64xbf16, #tpu.memory_space<vmem>>, vector<1x256x64xbf16>
    %swap3A_35 = vector.shape_cast %swap3A_34 : vector<1x256x64xbf16> to vector<256x64xbf16>
    %swap3A_36 = vector.shape_cast %convert_element_type3A_31 : vector<256x64xbf16> to vector<1x256x64xbf16>
    tpu.vector_store %arg6[%swap3A, %swap3A_32, %swap3A_33], %swap3A_36 {strides = array<i32>} : memref<1x256x64xbf16, #tpu.memory_space<vmem>>, vector<1x256x64xbf16>,
    return
  }
  func.func @transform_1(%arg0: i32, %arg1: i32) -> (i32, i32, i32) {
    %add3A = arith.constant 4 : i32
    %add3A_0 = arith.addi %arg1, %add3A : i32
    %c0_i32 = arith.constant 0 : i32
    %c0_i32_1 = arith.constant 0 : i32
    return %arg0, %add3A_0, %c0_i32 : i32, i32, i32
  }
  func.func @transform_2(%arg0: i32, %arg1: i32) -> (i32, i32, i32) {
    %c0_i32 = arith.constant 0 : i32
    %c0_i32_0 = arith.constant 0 : i32
    %c0_i32_1 = arith.constant 0 : i32
    return %arg0, %c0_i32, %c0_i32_0 : i32, i32, i32
  }
  func.func @transform_3(%arg0: i32, %arg1: i32) -> (i32, i32, i32) {
    %c0_i32 = arith.constant 0 : i32
    %c0_i32_0 = arith.constant 0 : i32
    %c0_i32_1 = arith.constant 0 : i32
    return %arg0, %c0_i32, %c0_i32_0 : i32, i32, i32
  }
  func.func @transform_4(%arg0: i32, %arg1: i32) -> (i32, i32, i32) {
    %add3A = arith.constant 4 : i32
    %add3A_0 = arith.addi %arg1, %add3A : i32
    %c0_i32 = arith.constant 0 : i32
    %c0_i32_1 = arith.constant 0 : i32
    return %arg0, %add3A_0, %c0_i32 : i32, i32, i32
  }
}

module attributes {stable_mosaic.version = 14 : i64} {
  func.func @_projrouter_body(%arg0: i32, %arg1: memref<256x768xf32, #tpu.memory_space<vmem>>, %arg2: memref<12x256x64xbf16, #tpu.memory_space<vmem>>, %arg3: memref<12x64x768xbf16, #tpu.memory_space<vmem>>, %arg4: memref<1x768xf32, #tpu.memory_space<vmem>>, %arg5: memref<768x64xf32, #tpu.memory_space<vmem>>, %arg6: memref<256x768xf32, #tpu.memory_space<vmem>>, %arg7: memref<256x768xf32, #tpu.memory_space<vmem>>, %arg8: memref<256x4xf32, #tpu.memory_space<vmem>>, %arg9: memref<256x4xi32, #tpu.memory_space<vmem>>, %arg10: memref<8x64xf32, #tpu.memory_space<vmem>>) attributes {dimension_semantics = [#tpu.dimension_semantics<arbitrary>], iteration_bounds = array<i64: 8>, scalar_prefetch = 0 : i64, scratch_operands = 1 : i64, tpu.core_type = #tpu.core_type<tc>, window_params = [{transform_indices = @transform_0, window_bounds = array<i64: 256, 768>}, {transform_indices = @transform_1, window_bounds = array<i64: 12, 256, 64>}, {pipeline_mode = #tpu.pipeline_mode<synchronous>, transform_indices = @transform_2, window_bounds = array<i64: 12, 64, 768>}, {pipeline_mode = #tpu.pipeline_mode<synchronous>, transform_indices = @transform_3, window_bounds = array<i64: 1, 768>}, {pipeline_mode = #tpu.pipeline_mode<synchronous>, transform_indices = @transform_4, window_bounds = array<i64: 768, 64>}, {transform_indices = @transform_5, window_bounds = array<i64: 256, 768>}, {transform_indices = @transform_6, window_bounds = array<i64: 256, 768>}, {transform_indices = @transform_7, window_bounds = array<i64: 256, 4>}, {transform_indices = @transform_8, window_bounds = array<i64: 256, 4>}]} {
    %eq3A = arith.constant 0 : i32
    %eq3A_0 = arith.cmpi eq, %arg0, %eq3A : i32
    %convert_element_type3A = arith.extui %eq3A_0 : i1 to i32
    %cond3A = arith.constant 0 : i32
    %cond3A_1 = arith.cmpi ne, %convert_element_type3A, %cond3A : i32
    scf.if %cond3A_1 {
      %broadcast_in_dim3A_297 = arith.constant 0.000000e+00 : f32
      %broadcast_in_dim3A_298 = vector.broadcast %broadcast_in_dim3A_297 : f32 to vector<8x64xf32>
      %swap3A_299 = arith.constant 0 : index
      %swap3A_300 = arith.constant 0 : index
      %swap3A_301 = vector.load %arg10[%swap3A_299, %swap3A_300] : memref<8x64xf32, #tpu.memory_space<vmem>>, vector<8x64xf32>
      tpu.vector_store %arg10[%swap3A_299, %swap3A_300], %broadcast_in_dim3A_298 {strides = array<i32>} : memref<8x64xf32, #tpu.memory_space<vmem>>, vector<8x64xf32>,
    } else {
    }
    %get3A = arith.constant 0 : index
    %get3A_2 = arith.constant 0 : index
    %get3A_3 = vector.load %arg1[%get3A, %get3A_2] : memref<256x768xf32, #tpu.memory_space<vmem>>, vector<256x768xf32>
    %get3A_4 = arith.constant 0 : index
    %get3A_5 = arith.constant 0 : index
    %get3A_6 = arith.constant 0 : index
    %get3A_7 = vector.load %arg2[%get3A_4, %get3A_5, %get3A_6] : memref<12x256x64xbf16, #tpu.memory_space<vmem>>, vector<1x256x64xbf16>
    %get3A_8 = vector.shape_cast %get3A_7 : vector<1x256x64xbf16> to vector<256x64xbf16>
    %get3A_9 = arith.constant 0 : index
    %get3A_10 = arith.constant 0 : index
    %get3A_11 = arith.constant 0 : index
    %get3A_12 = vector.load %arg3[%get3A_9, %get3A_10, %get3A_11] : memref<12x64x768xbf16, #tpu.memory_space<vmem>>, vector<1x64x768xbf16>
    %get3A_13 = vector.shape_cast %get3A_12 : vector<1x64x768xbf16> to vector<64x768xbf16>
    %dot_general3A = arith.constant dense<0.000000e+00> : vector<256x768xf32>
    %dot_general3A_14 = tpu.matmul %get3A_8, %get3A_13, %dot_general3A {dimension_numbers = #tpu.dot_dimension_numbers<[1], [0], [0], [1], [0, 0, 1, 1], [], []>, transpose_lhs_hint = false} : vector<256x64xbf16>, vector<64x768xbf16>, vector<256x768xf32> -> vector<256x768xf32>
    %add3A = arith.addf %get3A_3, %dot_general3A_14 : vector<256x768xf32>
    %get3A_15 = arith.constant 1 : index
    %get3A_16 = arith.constant 0 : index
    %get3A_17 = arith.constant 0 : index
    %get3A_18 = vector.load %arg2[%get3A_15, %get3A_16, %get3A_17] : memref<12x256x64xbf16, #tpu.memory_space<vmem>>, vector<1x256x64xbf16>
    %get3A_19 = vector.shape_cast %get3A_18 : vector<1x256x64xbf16> to vector<256x64xbf16>
    %get3A_20 = arith.constant 1 : index
    %get3A_21 = arith.constant 0 : index
    %get3A_22 = arith.constant 0 : index
    %get3A_23 = vector.load %arg3[%get3A_20, %get3A_21, %get3A_22] : memref<12x64x768xbf16, #tpu.memory_space<vmem>>, vector<1x64x768xbf16>
    %get3A_24 = vector.shape_cast %get3A_23 : vector<1x64x768xbf16> to vector<64x768xbf16>
    %dot_general3A_25 = arith.constant dense<0.000000e+00> : vector<256x768xf32>
    %dot_general3A_26 = tpu.matmul %get3A_19, %get3A_24, %dot_general3A_25 {dimension_numbers = #tpu.dot_dimension_numbers<[1], [0], [0], [1], [0, 0, 1, 1], [], []>, transpose_lhs_hint = false} : vector<256x64xbf16>, vector<64x768xbf16>, vector<256x768xf32> -> vector<256x768xf32>
    %add3A_27 = arith.addf %add3A, %dot_general3A_26 : vector<256x768xf32>
    %get3A_28 = arith.constant 2 : index
    %get3A_29 = arith.constant 0 : index
    %get3A_30 = arith.constant 0 : index
    %get3A_31 = vector.load %arg2[%get3A_28, %get3A_29, %get3A_30] : memref<12x256x64xbf16, #tpu.memory_space<vmem>>, vector<1x256x64xbf16>
    %get3A_32 = vector.shape_cast %get3A_31 : vector<1x256x64xbf16> to vector<256x64xbf16>
    %get3A_33 = arith.constant 2 : index
    %get3A_34 = arith.constant 0 : index
    %get3A_35 = arith.constant 0 : index
    %get3A_36 = vector.load %arg3[%get3A_33, %get3A_34, %get3A_35] : memref<12x64x768xbf16, #tpu.memory_space<vmem>>, vector<1x64x768xbf16>
    %get3A_37 = vector.shape_cast %get3A_36 : vector<1x64x768xbf16> to vector<64x768xbf16>
    %dot_general3A_38 = arith.constant dense<0.000000e+00> : vector<256x768xf32>
    %dot_general3A_39 = tpu.matmul %get3A_32, %get3A_37, %dot_general3A_38 {dimension_numbers = #tpu.dot_dimension_numbers<[1], [0], [0], [1], [0, 0, 1, 1], [], []>, transpose_lhs_hint = false} : vector<256x64xbf16>, vector<64x768xbf16>, vector<256x768xf32> -> vector<256x768xf32>
    %add3A_40 = arith.addf %add3A_27, %dot_general3A_39 : vector<256x768xf32>
    %get3A_41 = arith.constant 3 : index
    %get3A_42 = arith.constant 0 : index
    %get3A_43 = arith.constant 0 : index
    %get3A_44 = vector.load %arg2[%get3A_41, %get3A_42, %get3A_43] : memref<12x256x64xbf16, #tpu.memory_space<vmem>>, vector<1x256x64xbf16>
    %get3A_45 = vector.shape_cast %get3A_44 : vector<1x256x64xbf16> to vector<256x64xbf16>
    %get3A_46 = arith.constant 3 : index
    %get3A_47 = arith.constant 0 : index
    %get3A_48 = arith.constant 0 : index
    %get3A_49 = vector.load %arg3[%get3A_46, %get3A_47, %get3A_48] : memref<12x64x768xbf16, #tpu.memory_space<vmem>>, vector<1x64x768xbf16>
    %get3A_50 = vector.shape_cast %get3A_49 : vector<1x64x768xbf16> to vector<64x768xbf16>
    %dot_general3A_51 = arith.constant dense<0.000000e+00> : vector<256x768xf32>
    %dot_general3A_52 = tpu.matmul %get3A_45, %get3A_50, %dot_general3A_51 {dimension_numbers = #tpu.dot_dimension_numbers<[1], [0], [0], [1], [0, 0, 1, 1], [], []>, transpose_lhs_hint = false} : vector<256x64xbf16>, vector<64x768xbf16>, vector<256x768xf32> -> vector<256x768xf32>
    %add3A_53 = arith.addf %add3A_40, %dot_general3A_52 : vector<256x768xf32>
    %get3A_54 = arith.constant 4 : index
    %get3A_55 = arith.constant 0 : index
    %get3A_56 = arith.constant 0 : index
    %get3A_57 = vector.load %arg2[%get3A_54, %get3A_55, %get3A_56] : memref<12x256x64xbf16, #tpu.memory_space<vmem>>, vector<1x256x64xbf16>
    %get3A_58 = vector.shape_cast %get3A_57 : vector<1x256x64xbf16> to vector<256x64xbf16>
    %get3A_59 = arith.constant 4 : index
    %get3A_60 = arith.constant 0 : index
    %get3A_61 = arith.constant 0 : index
    %get3A_62 = vector.load %arg3[%get3A_59, %get3A_60, %get3A_61] : memref<12x64x768xbf16, #tpu.memory_space<vmem>>, vector<1x64x768xbf16>
    %get3A_63 = vector.shape_cast %get3A_62 : vector<1x64x768xbf16> to vector<64x768xbf16>
    %dot_general3A_64 = arith.constant dense<0.000000e+00> : vector<256x768xf32>
    %dot_general3A_65 = tpu.matmul %get3A_58, %get3A_63, %dot_general3A_64 {dimension_numbers = #tpu.dot_dimension_numbers<[1], [0], [0], [1], [0, 0, 1, 1], [], []>, transpose_lhs_hint = false} : vector<256x64xbf16>, vector<64x768xbf16>, vector<256x768xf32> -> vector<256x768xf32>
    %add3A_66 = arith.addf %add3A_53, %dot_general3A_65 : vector<256x768xf32>
    %get3A_67 = arith.constant 5 : index
    %get3A_68 = arith.constant 0 : index
    %get3A_69 = arith.constant 0 : index
    %get3A_70 = vector.load %arg2[%get3A_67, %get3A_68, %get3A_69] : memref<12x256x64xbf16, #tpu.memory_space<vmem>>, vector<1x256x64xbf16>
    %get3A_71 = vector.shape_cast %get3A_70 : vector<1x256x64xbf16> to vector<256x64xbf16>
    %get3A_72 = arith.constant 5 : index
    %get3A_73 = arith.constant 0 : index
    %get3A_74 = arith.constant 0 : index
    %get3A_75 = vector.load %arg3[%get3A_72, %get3A_73, %get3A_74] : memref<12x64x768xbf16, #tpu.memory_space<vmem>>, vector<1x64x768xbf16>
    %get3A_76 = vector.shape_cast %get3A_75 : vector<1x64x768xbf16> to vector<64x768xbf16>
    %dot_general3A_77 = arith.constant dense<0.000000e+00> : vector<256x768xf32>
    %dot_general3A_78 = tpu.matmul %get3A_71, %get3A_76, %dot_general3A_77 {dimension_numbers = #tpu.dot_dimension_numbers<[1], [0], [0], [1], [0, 0, 1, 1], [], []>, transpose_lhs_hint = false} : vector<256x64xbf16>, vector<64x768xbf16>, vector<256x768xf32> -> vector<256x768xf32>
    %add3A_79 = arith.addf %add3A_66, %dot_general3A_78 : vector<256x768xf32>
    %get3A_80 = arith.constant 6 : index
    %get3A_81 = arith.constant 0 : index
    %get3A_82 = arith.constant 0 : index
    %get3A_83 = vector.load %arg2[%get3A_80, %get3A_81, %get3A_82] : memref<12x256x64xbf16, #tpu.memory_space<vmem>>, vector<1x256x64xbf16>
    %get3A_84 = vector.shape_cast %get3A_83 : vector<1x256x64xbf16> to vector<256x64xbf16>
    %get3A_85 = arith.constant 6 : index
    %get3A_86 = arith.constant 0 : index
    %get3A_87 = arith.constant 0 : index
    %get3A_88 = vector.load %arg3[%get3A_85, %get3A_86, %get3A_87] : memref<12x64x768xbf16, #tpu.memory_space<vmem>>, vector<1x64x768xbf16>
    %get3A_89 = vector.shape_cast %get3A_88 : vector<1x64x768xbf16> to vector<64x768xbf16>
    %dot_general3A_90 = arith.constant dense<0.000000e+00> : vector<256x768xf32>
    %dot_general3A_91 = tpu.matmul %get3A_84, %get3A_89, %dot_general3A_90 {dimension_numbers = #tpu.dot_dimension_numbers<[1], [0], [0], [1], [0, 0, 1, 1], [], []>, transpose_lhs_hint = false} : vector<256x64xbf16>, vector<64x768xbf16>, vector<256x768xf32> -> vector<256x768xf32>
    %add3A_92 = arith.addf %add3A_79, %dot_general3A_91 : vector<256x768xf32>
    %get3A_93 = arith.constant 7 : index
    %get3A_94 = arith.constant 0 : index
    %get3A_95 = arith.constant 0 : index
    %get3A_96 = vector.load %arg2[%get3A_93, %get3A_94, %get3A_95] : memref<12x256x64xbf16, #tpu.memory_space<vmem>>, vector<1x256x64xbf16>
    %get3A_97 = vector.shape_cast %get3A_96 : vector<1x256x64xbf16> to vector<256x64xbf16>
    %get3A_98 = arith.constant 7 : index
    %get3A_99 = arith.constant 0 : index
    %get3A_100 = arith.constant 0 : index
    %get3A_101 = vector.load %arg3[%get3A_98, %get3A_99, %get3A_100] : memref<12x64x768xbf16, #tpu.memory_space<vmem>>, vector<1x64x768xbf16>
    %get3A_102 = vector.shape_cast %get3A_101 : vector<1x64x768xbf16> to vector<64x768xbf16>
    %dot_general3A_103 = arith.constant dense<0.000000e+00> : vector<256x768xf32>
    %dot_general3A_104 = tpu.matmul %get3A_97, %get3A_102, %dot_general3A_103 {dimension_numbers = #tpu.dot_dimension_numbers<[1], [0], [0], [1], [0, 0, 1, 1], [], []>, transpose_lhs_hint = false} : vector<256x64xbf16>, vector<64x768xbf16>, vector<256x768xf32> -> vector<256x768xf32>
    %add3A_105 = arith.addf %add3A_92, %dot_general3A_104 : vector<256x768xf32>
    %get3A_106 = arith.constant 8 : index
    %get3A_107 = arith.constant 0 : index
    %get3A_108 = arith.constant 0 : index
    %get3A_109 = vector.load %arg2[%get3A_106, %get3A_107, %get3A_108] : memref<12x256x64xbf16, #tpu.memory_space<vmem>>, vector<1x256x64xbf16>
    %get3A_110 = vector.shape_cast %get3A_109 : vector<1x256x64xbf16> to vector<256x64xbf16>
    %get3A_111 = arith.constant 8 : index
    %get3A_112 = arith.constant 0 : index
    %get3A_113 = arith.constant 0 : index
    %get3A_114 = vector.load %arg3[%get3A_111, %get3A_112, %get3A_113] : memref<12x64x768xbf16, #tpu.memory_space<vmem>>, vector<1x64x768xbf16>
    %get3A_115 = vector.shape_cast %get3A_114 : vector<1x64x768xbf16> to vector<64x768xbf16>
    %dot_general3A_116 = arith.constant dense<0.000000e+00> : vector<256x768xf32>
    %dot_general3A_117 = tpu.matmul %get3A_110, %get3A_115, %dot_general3A_116 {dimension_numbers = #tpu.dot_dimension_numbers<[1], [0], [0], [1], [0, 0, 1, 1], [], []>, transpose_lhs_hint = false} : vector<256x64xbf16>, vector<64x768xbf16>, vector<256x768xf32> -> vector<256x768xf32>
    %add3A_118 = arith.addf %add3A_105, %dot_general3A_117 : vector<256x768xf32>
    %get3A_119 = arith.constant 9 : index
    %get3A_120 = arith.constant 0 : index
    %get3A_121 = arith.constant 0 : index
    %get3A_122 = vector.load %arg2[%get3A_119, %get3A_120, %get3A_121] : memref<12x256x64xbf16, #tpu.memory_space<vmem>>, vector<1x256x64xbf16>
    %get3A_123 = vector.shape_cast %get3A_122 : vector<1x256x64xbf16> to vector<256x64xbf16>
    %get3A_124 = arith.constant 9 : index
    %get3A_125 = arith.constant 0 : index
    %get3A_126 = arith.constant 0 : index
    %get3A_127 = vector.load %arg3[%get3A_124, %get3A_125, %get3A_126] : memref<12x64x768xbf16, #tpu.memory_space<vmem>>, vector<1x64x768xbf16>
    %get3A_128 = vector.shape_cast %get3A_127 : vector<1x64x768xbf16> to vector<64x768xbf16>
    %dot_general3A_129 = arith.constant dense<0.000000e+00> : vector<256x768xf32>
    %dot_general3A_130 = tpu.matmul %get3A_123, %get3A_128, %dot_general3A_129 {dimension_numbers = #tpu.dot_dimension_numbers<[1], [0], [0], [1], [0, 0, 1, 1], [], []>, transpose_lhs_hint = false} : vector<256x64xbf16>, vector<64x768xbf16>, vector<256x768xf32> -> vector<256x768xf32>
    %add3A_131 = arith.addf %add3A_118, %dot_general3A_130 : vector<256x768xf32>
    %get3A_132 = arith.constant 10 : index
    %get3A_133 = arith.constant 0 : index
    %get3A_134 = arith.constant 0 : index
    %get3A_135 = vector.load %arg2[%get3A_132, %get3A_133, %get3A_134] : memref<12x256x64xbf16, #tpu.memory_space<vmem>>, vector<1x256x64xbf16>
    %get3A_136 = vector.shape_cast %get3A_135 : vector<1x256x64xbf16> to vector<256x64xbf16>
    %get3A_137 = arith.constant 10 : index
    %get3A_138 = arith.constant 0 : index
    %get3A_139 = arith.constant 0 : index
    %get3A_140 = vector.load %arg3[%get3A_137, %get3A_138, %get3A_139] : memref<12x64x768xbf16, #tpu.memory_space<vmem>>, vector<1x64x768xbf16>
    %get3A_141 = vector.shape_cast %get3A_140 : vector<1x64x768xbf16> to vector<64x768xbf16>
    %dot_general3A_142 = arith.constant dense<0.000000e+00> : vector<256x768xf32>
    %dot_general3A_143 = tpu.matmul %get3A_136, %get3A_141, %dot_general3A_142 {dimension_numbers = #tpu.dot_dimension_numbers<[1], [0], [0], [1], [0, 0, 1, 1], [], []>, transpose_lhs_hint = false} : vector<256x64xbf16>, vector<64x768xbf16>, vector<256x768xf32> -> vector<256x768xf32>
    %add3A_144 = arith.addf %add3A_131, %dot_general3A_143 : vector<256x768xf32>
    %get3A_145 = arith.constant 11 : index
    %get3A_146 = arith.constant 0 : index
    %get3A_147 = arith.constant 0 : index
    %get3A_148 = vector.load %arg2[%get3A_145, %get3A_146, %get3A_147] : memref<12x256x64xbf16, #tpu.memory_space<vmem>>, vector<1x256x64xbf16>
    %get3A_149 = vector.shape_cast %get3A_148 : vector<1x256x64xbf16> to vector<256x64xbf16>
    %get3A_150 = arith.constant 11 : index
    %get3A_151 = arith.constant 0 : index
    %get3A_152 = arith.constant 0 : index
    %get3A_153 = vector.load %arg3[%get3A_150, %get3A_151, %get3A_152] : memref<12x64x768xbf16, #tpu.memory_space<vmem>>, vector<1x64x768xbf16>
    %get3A_154 = vector.shape_cast %get3A_153 : vector<1x64x768xbf16> to vector<64x768xbf16>
    %dot_general3A_155 = arith.constant dense<0.000000e+00> : vector<256x768xf32>
    %dot_general3A_156 = tpu.matmul %get3A_149, %get3A_154, %dot_general3A_155 {dimension_numbers = #tpu.dot_dimension_numbers<[1], [0], [0], [1], [0, 0, 1, 1], [], []>, transpose_lhs_hint = false} : vector<256x64xbf16>, vector<64x768xbf16>, vector<256x768xf32> -> vector<256x768xf32>
    %add3A_157 = arith.addf %add3A_144, %dot_general3A_156 : vector<256x768xf32>
    %swap3A = arith.constant 0 : index
    %swap3A_158 = arith.constant 0 : index
    %swap3A_159 = vector.load %arg6[%swap3A, %swap3A_158] : memref<256x768xf32, #tpu.memory_space<vmem>>, vector<256x768xf32>
    tpu.vector_store %arg6[%swap3A, %swap3A_158], %add3A_157 {strides = array<i32>} : memref<256x768xf32, #tpu.memory_space<vmem>>, vector<256x768xf32>,
    %mul3A = arith.mulf %add3A_157, %add3A_157 : vector<256x768xf32>
    %reduce_sum3A = arith.constant dense<0.000000e+00> : vector<256xf32>
    %reduce_sum3A_160 = vector.multi_reduction <add>, %mul3A, %reduce_sum3A [1] : vector<256x768xf32> to vector<256xf32>
    %broadcast_in_dim3A = vector.shape_cast %reduce_sum3A_160 : vector<256xf32> to vector<256x1xf32>
    %div3A = arith.constant 7.680000e+02 : f32
    %div3A_161 = vector.broadcast %div3A : f32 to vector<256x1xf32>
    %div3A_162 = arith.divf %broadcast_in_dim3A, %div3A_161 : vector<256x1xf32>
    %add3A_163 = arith.constant 9.99999997E-7 : f32
    %add3A_164 = vector.broadcast %add3A_163 : f32 to vector<256x1xf32>
    %add3A_165 = arith.addf %div3A_162, %add3A_164 : vector<256x1xf32>
    %rsqrt3A = math.rsqrt %add3A_165 : vector<256x1xf32>
    %mul3A_166 = vector.broadcast %rsqrt3A : vector<256x1xf32> to vector<256x768xf32>
    %mul3A_167 = arith.mulf %add3A_157, %mul3A_166 : vector<256x768xf32>
    %get3A_168 = arith.constant 0 : index
    %get3A_169 = arith.constant 0 : index
    %get3A_170 = vector.load %arg4[%get3A_168, %get3A_169] : memref<1x768xf32, #tpu.memory_space<vmem>>, vector<1x768xf32>
    %mul3A_171 = vector.broadcast %get3A_170 : vector<1x768xf32> to vector<256x768xf32>
    %mul3A_172 = arith.mulf %mul3A_167, %mul3A_171 : vector<256x768xf32>
    %swap3A_173 = arith.constant 0 : index
    %swap3A_174 = arith.constant 0 : index
    %swap3A_175 = vector.load %arg7[%swap3A_173, %swap3A_174] : memref<256x768xf32, #tpu.memory_space<vmem>>, vector<256x768xf32>
    tpu.vector_store %arg7[%swap3A_173, %swap3A_174], %mul3A_172 {strides = array<i32>} : memref<256x768xf32, #tpu.memory_space<vmem>>, vector<256x768xf32>,
    %get3A_176 = arith.constant 0 : index
    %get3A_177 = arith.constant 0 : index
    %get3A_178 = vector.load %arg5[%get3A_176, %get3A_177] : memref<768x64xf32, #tpu.memory_space<vmem>>, vector<768x64xf32>
    %dot_general3A_179 = arith.constant dense<0.000000e+00> : vector<256x64xf32>
    %dot_general3A_180 = tpu.matmul %mul3A_172, %get3A_178, %dot_general3A_179 {dimension_numbers = #tpu.dot_dimension_numbers<[1], [0], [0], [1], [0, 0, 1, 1], [], []>, transpose_lhs_hint = false} : vector<256x768xf32>, vector<768x64xf32>, vector<256x64xf32> -> vector<256x64xf32>
    %iota3A = tpu.iota {dimensions = array<i32: 1>} : vector<256x64xi32>
    %reduce_max3A = arith.constant dense<0xFF800000> : vector<256xf32>
    %reduce_max3A_181 = vector.multi_reduction <maximumf>, %dot_general3A_180, %reduce_max3A [1] : vector<256x64xf32> to vector<256xf32>
    %broadcast_in_dim3A_182 = vector.shape_cast %reduce_max3A_181 : vector<256xf32> to vector<256x1xf32>
    %eq3A_183 = vector.broadcast %broadcast_in_dim3A_182 : vector<256x1xf32> to vector<256x64xf32>
    %eq3A_184 = arith.cmpf oeq, %dot_general3A_180, %eq3A_183 : vector<256x64xf32>
    %jit3A = arith.constant 64 : i32
    %broadcast_in_dim3A_185 = vector.broadcast %jit3A : i32 to vector<256x64xi32>
    %select_n3A = arith.select %eq3A_184, %iota3A, %broadcast_in_dim3A_185 : vector<256x64xi1>, vector<256x64xi32>
    %reduce_min3A = arith.constant dense<2147483647> : vector<256xi32>
    %reduce_min3A_186 = vector.multi_reduction <minsi>, %select_n3A, %reduce_min3A [1] : vector<256x64xi32> to vector<256xi32>
    %broadcast_in_dim3A_187 = vector.shape_cast %reduce_min3A_186 : vector<256xi32> to vector<256x1xi32>
    %eq3A_188 = vector.broadcast %broadcast_in_dim3A_187 : vector<256x1xi32> to vector<256x64xi32>
    %eq3A_189 = arith.cmpi eq, %iota3A, %eq3A_188 : vector<256x64xi32>
    %jit3A_190 = arith.constant 0xFF800000 : f32
    %broadcast_in_dim3A_191 = vector.broadcast %jit3A_190 : f32 to vector<256x64xf32>
    %select_n3A_192 = arith.select %eq3A_189, %broadcast_in_dim3A_191, %dot_general3A_180 : vector<256x64xi1>, vector<256x64xf32>
    %reduce_max3A_193 = arith.constant dense<0xFF800000> : vector<256xf32>
    %reduce_max3A_194 = vector.multi_reduction <maximumf>, %select_n3A_192, %reduce_max3A_193 [1] : vector<256x64xf32> to vector<256xf32>
    %broadcast_in_dim3A_195 = vector.shape_cast %reduce_max3A_194 : vector<256xf32> to vector<256x1xf32>
    %eq3A_196 = vector.broadcast %broadcast_in_dim3A_195 : vector<256x1xf32> to vector<256x64xf32>
    %eq3A_197 = arith.cmpf oeq, %select_n3A_192, %eq3A_196 : vector<256x64xf32>
    %jit3A_198 = arith.constant 64 : i32
    %broadcast_in_dim3A_199 = vector.broadcast %jit3A_198 : i32 to vector<256x64xi32>
    %select_n3A_200 = arith.select %eq3A_197, %iota3A, %broadcast_in_dim3A_199 : vector<256x64xi1>, vector<256x64xi32>
    %reduce_min3A_201 = arith.constant dense<2147483647> : vector<256xi32>
    %reduce_min3A_202 = vector.multi_reduction <minsi>, %select_n3A_200, %reduce_min3A_201 [1] : vector<256x64xi32> to vector<256xi32>
    %broadcast_in_dim3A_203 = vector.shape_cast %reduce_min3A_202 : vector<256xi32> to vector<256x1xi32>
    %sub3A = arith.subf %broadcast_in_dim3A_195, %broadcast_in_dim3A_182 : vector<256x1xf32>
    %exp3A = math.exp %sub3A : vector<256x1xf32>
    %add3A_204 = arith.constant 1.000000e+00 : f32
    %add3A_205 = vector.broadcast %add3A_204 : f32 to vector<256x1xf32>
    %add3A_206 = arith.addf %add3A_205, %exp3A : vector<256x1xf32>
    %div3A_207 = arith.constant 1.000000e+00 : f32
    %div3A_208 = vector.broadcast %div3A_207 : f32 to vector<256x1xf32>
    %div3A_209 = arith.divf %div3A_208, %add3A_206 : vector<256x1xf32>
    %sub3A_210 = arith.constant 1.000000e+00 : f32
    %sub3A_211 = vector.broadcast %sub3A_210 : f32 to vector<256x1xf32>
    %sub3A_212 = arith.subf %sub3A_211, %div3A_209 : vector<256x1xf32>
    %eq3A_213 = vector.broadcast %broadcast_in_dim3A_187 : vector<256x1xi32> to vector<256x64xi32>
    %eq3A_214 = arith.cmpi eq, %iota3A, %eq3A_213 : vector<256x64xi32>
    %convert_element_type3A_215 = arith.extui %eq3A_214 : vector<256x64xi1> to vector<256x64xi32>
    %convert_element_type3A_216 = arith.sitofp %convert_element_type3A_215 : vector<256x64xi32> to vector<256x64xf32>
    %eq3A_217 = vector.broadcast %broadcast_in_dim3A_203 : vector<256x1xi32> to vector<256x64xi32>
    %eq3A_218 = arith.cmpi eq, %iota3A, %eq3A_217 : vector<256x64xi32>
    %convert_element_type3A_219 = arith.extui %eq3A_218 : vector<256x64xi1> to vector<256x64xi32>
    %convert_element_type3A_220 = arith.sitofp %convert_element_type3A_219 : vector<256x64xi32> to vector<256x64xf32>
    %add3A_221 = arith.addf %convert_element_type3A_216, %convert_element_type3A_220 : vector<256x64xf32>
    %iota3A_222 = tpu.iota {dimensions = array<i32: 0>} : vector<256x256xi32>
    %iota3A_223 = tpu.iota {dimensions = array<i32: 1>} : vector<256x256xi32>
    %le3A = arith.cmpi sle, %iota3A_223, %iota3A_222 : vector<256x256xi32>
    %convert_element_type3A_224 = arith.extui %le3A : vector<256x256xi1> to vector<256x256xi32>
    %convert_element_type3A_225 = arith.sitofp %convert_element_type3A_224 : vector<256x256xi32> to vector<256x256xf32>
    %dot_general3A_226 = arith.constant dense<0.000000e+00> : vector<256x64xf32>
    %dot_general3A_227 = tpu.matmul %convert_element_type3A_225, %add3A_221, %dot_general3A_226 {dimension_numbers = #tpu.dot_dimension_numbers<[1], [0], [0], [1], [0, 0, 1, 1], [], []>, transpose_lhs_hint = false} : vector<256x256xf32>, vector<256x64xf32>, vector<256x64xf32> -> vector<256x64xf32>
    %get3A_228 = arith.constant 0 : index
    %get3A_229 = arith.constant 0 : index
    %get3A_230 = vector.load %arg10[%get3A_228, %get3A_229] : memref<8x64xf32, #tpu.memory_space<vmem>>, vector<1x64xf32>
    %add3A_231 = vector.broadcast %get3A_230 : vector<1x64xf32> to vector<256x64xf32>
    %add3A_232 = arith.addf %dot_general3A_227, %add3A_231 : vector<256x64xf32>
    %slice3A = vector.extract_strided_slice %add3A_232 {offsets = [255, 0], sizes = [1, 64], strides = [1, 1]} : vector<256x64xf32> to vector<1x64xf32>
    %swap3A_233 = arith.constant 0 : index
    %swap3A_234 = arith.constant 0 : index
    %swap3A_235 = vector.load %arg10[%swap3A_233, %swap3A_234] : memref<8x64xf32, #tpu.memory_space<vmem>>, vector<1x64xf32>
    tpu.vector_store %arg10[%swap3A_233, %swap3A_234], %slice3A {strides = array<i32>} : memref<8x64xf32, #tpu.memory_space<vmem>>, vector<1x64xf32>,
    %mul3A_236 = arith.mulf %add3A_232, %convert_element_type3A_216 : vector<256x64xf32>
    %reduce_sum3A_237 = arith.constant dense<0.000000e+00> : vector<256xf32>
    %reduce_sum3A_238 = vector.multi_reduction <add>, %mul3A_236, %reduce_sum3A_237 [1] : vector<256x64xf32> to vector<256xf32>
    %broadcast_in_dim3A_239 = vector.shape_cast %reduce_sum3A_238 : vector<256xf32> to vector<256x1xf32>
    %sub3A_240 = arith.constant 1.000000e+00 : f32
    %sub3A_241 = vector.broadcast %sub3A_240 : f32 to vector<256x1xf32>
    %sub3A_242 = arith.subf %broadcast_in_dim3A_239, %sub3A_241 : vector<256x1xf32>
    %mul3A_243 = arith.mulf %add3A_232, %convert_element_type3A_220 : vector<256x64xf32>
    %reduce_sum3A_244 = arith.constant dense<0.000000e+00> : vector<256xf32>
    %reduce_sum3A_245 = vector.multi_reduction <add>, %mul3A_243, %reduce_sum3A_244 [1] : vector<256x64xf32> to vector<256xf32>
    %broadcast_in_dim3A_246 = vector.shape_cast %reduce_sum3A_245 : vector<256xf32> to vector<256x1xf32>
    %sub3A_247 = arith.constant 1.000000e+00 : f32
    %sub3A_248 = vector.broadcast %sub3A_247 : f32 to vector<256x1xf32>
    %sub3A_249 = arith.subf %broadcast_in_dim3A_246, %sub3A_248 : vector<256x1xf32>
    %lt3A = arith.constant 1.280000e+02 : f32
    %lt3A_250 = vector.broadcast %lt3A : f32 to vector<256x1xf32>
    %lt3A_251 = arith.cmpf olt, %sub3A_242, %lt3A_250 : vector<256x1xf32>
    %lt3A_252 = arith.constant 1.280000e+02 : f32
    %lt3A_253 = vector.broadcast %lt3A_252 : f32 to vector<256x1xf32>
    %lt3A_254 = arith.cmpf olt, %sub3A_249, %lt3A_253 : vector<256x1xf32>
    %convert_element_type3A_255 = arith.fptosi %sub3A_242 : vector<256x1xf32> to vector<256x1xi32>
    %convert_element_type3A_256 = arith.fptosi %sub3A_249 : vector<256x1xf32> to vector<256x1xi32>
    %min3A = arith.constant 127 : i32
    %min3A_257 = vector.broadcast %min3A : i32 to vector<256x1xi32>
    %min3A_258 = arith.minsi %convert_element_type3A_255, %min3A_257 : vector<256x1xi32>
    %min3A_259 = arith.constant 127 : i32
    %min3A_260 = vector.broadcast %min3A_259 : i32 to vector<256x1xi32>
    %min3A_261 = arith.minsi %convert_element_type3A_256, %min3A_260 : vector<256x1xi32>
    %jit3A_262 = arith.constant 0.000000e+00 : f32
    %broadcast_in_dim3A_263 = vector.broadcast %jit3A_262 : f32 to vector<256x1xf32>
    %select_n3A_264 = arith.select %lt3A_251, %div3A_209, %broadcast_in_dim3A_263 : vector<256x1xi1>, vector<256x1xf32>
    %jit3A_265 = arith.constant 0.000000e+00 : f32
    %broadcast_in_dim3A_266 = vector.broadcast %jit3A_265 : f32 to vector<256x1xf32>
    %select_n3A_267 = arith.select %lt3A_254, %sub3A_212, %broadcast_in_dim3A_266 : vector<256x1xi1>, vector<256x1xf32>
    %concatenate3A = tpu.concatenate %select_n3A_264, %select_n3A_267, %select_n3A_264, %select_n3A_267 in 1 : vector<256x1xf32>, vector<256x1xf32>, vector<256x1xf32>, vector<256x1xf32> -> vector<256x4xf32>
    %swap3A_268 = arith.constant 0 : index
    %swap3A_269 = arith.constant 0 : index
    %swap3A_270 = vector.load %arg8[%swap3A_268, %swap3A_269] : memref<256x4xf32, #tpu.memory_space<vmem>>, vector<256x4xf32>
    tpu.vector_store %arg8[%swap3A_268, %swap3A_269], %concatenate3A {strides = array<i32>} : memref<256x4xf32, #tpu.memory_space<vmem>>, vector<256x4xf32>,
    %mul3A_271 = arith.constant 128 : i32
    %mul3A_272 = vector.broadcast %mul3A_271 : i32 to vector<256x1xi32>
    %mul3A_273 = arith.muli %broadcast_in_dim3A_187, %mul3A_272 : vector<256x1xi32>
    %add3A_274 = arith.addi %mul3A_273, %convert_element_type3A_255 : vector<256x1xi32>
    %jit3A_275 = arith.constant 8192 : i32
    %broadcast_in_dim3A_276 = vector.broadcast %jit3A_275 : i32 to vector<256x1xi32>
    %select_n3A_277 = arith.select %lt3A_251, %add3A_274, %broadcast_in_dim3A_276 : vector<256x1xi1>, vector<256x1xi32>
    %mul3A_278 = arith.constant 128 : i32
    %mul3A_279 = vector.broadcast %mul3A_278 : i32 to vector<256x1xi32>
    %mul3A_280 = arith.muli %broadcast_in_dim3A_203, %mul3A_279 : vector<256x1xi32>
    %add3A_281 = arith.addi %mul3A_280, %convert_element_type3A_256 : vector<256x1xi32>
    %jit3A_282 = arith.constant 8192 : i32
    %broadcast_in_dim3A_283 = vector.broadcast %jit3A_282 : i32 to vector<256x1xi32>
    %select_n3A_284 = arith.select %lt3A_254, %add3A_281, %broadcast_in_dim3A_283 : vector<256x1xi1>, vector<256x1xi32>
    %mul3A_285 = arith.constant 128 : i32
    %mul3A_286 = vector.broadcast %mul3A_285 : i32 to vector<256x1xi32>
    %mul3A_287 = arith.muli %broadcast_in_dim3A_187, %mul3A_286 : vector<256x1xi32>
    %add3A_288 = arith.addi %mul3A_287, %min3A_258 : vector<256x1xi32>
    %mul3A_289 = arith.constant 128 : i32
    %mul3A_290 = vector.broadcast %mul3A_289 : i32 to vector<256x1xi32>
    %mul3A_291 = arith.muli %broadcast_in_dim3A_203, %mul3A_290 : vector<256x1xi32>
    %add3A_292 = arith.addi %mul3A_291, %min3A_261 : vector<256x1xi32>
    %concatenate3A_293 = tpu.concatenate %select_n3A_277, %select_n3A_284, %add3A_288, %add3A_292 in 1 : vector<256x1xi32>, vector<256x1xi32>, vector<256x1xi32>, vector<256x1xi32> -> vector<256x4xi32>
    %swap3A_294 = arith.constant 0 : index
    %swap3A_295 = arith.constant 0 : index
    %swap3A_296 = vector.load %arg9[%swap3A_294, %swap3A_295] : memref<256x4xi32, #tpu.memory_space<vmem>>, vector<256x4xi32>
    tpu.vector_store %arg9[%swap3A_294, %swap3A_295], %concatenate3A_293 {strides = array<i32>} : memref<256x4xi32, #tpu.memory_space<vmem>>, vector<256x4xi32>,
    return
  }
  func.func @transform_0(%arg0: i32) -> (i32, i32) {
    %c0_i32 = arith.constant 0 : i32
    %c0_i32_0 = arith.constant 0 : i32
    return %arg0, %c0_i32 : i32, i32
  }
  func.func @transform_1(%arg0: i32) -> (i32, i32, i32) {
    %c0_i32 = arith.constant 0 : i32
    %c0_i32_0 = arith.constant 0 : i32
    %c0_i32_1 = arith.constant 0 : i32
    return %c0_i32, %arg0, %c0_i32_0 : i32, i32, i32
  }
  func.func @transform_2(%arg0: i32) -> (i32, i32, i32) {
    %c0_i32 = arith.constant 0 : i32
    %c0_i32_0 = arith.constant 0 : i32
    %c0_i32_1 = arith.constant 0 : i32
    %c0_i32_2 = arith.constant 0 : i32
    return %c0_i32, %c0_i32_0, %c0_i32_1 : i32, i32, i32
  }
  func.func @transform_3(%arg0: i32) -> (i32, i32) {
    %c0_i32 = arith.constant 0 : i32
    %c0_i32_0 = arith.constant 0 : i32
    %c0_i32_1 = arith.constant 0 : i32
    return %c0_i32, %c0_i32_0 : i32, i32
  }
  func.func @transform_4(%arg0: i32) -> (i32, i32) {
    %c0_i32 = arith.constant 0 : i32
    %c0_i32_0 = arith.constant 0 : i32
    %c0_i32_1 = arith.constant 0 : i32
    return %c0_i32, %c0_i32_0 : i32, i32
  }
  func.func @transform_5(%arg0: i32) -> (i32, i32) {
    %c0_i32 = arith.constant 0 : i32
    %c0_i32_0 = arith.constant 0 : i32
    return %arg0, %c0_i32 : i32, i32
  }
  func.func @transform_6(%arg0: i32) -> (i32, i32) {
    %c0_i32 = arith.constant 0 : i32
    %c0_i32_0 = arith.constant 0 : i32
    return %arg0, %c0_i32 : i32, i32
  }
  func.func @transform_7(%arg0: i32) -> (i32, i32) {
    %c0_i32 = arith.constant 0 : i32
    %c0_i32_0 = arith.constant 0 : i32
    return %arg0, %c0_i32 : i32, i32
  }
  func.func @transform_8(%arg0: i32) -> (i32, i32) {
    %c0_i32 = arith.constant 0 : i32
    %c0_i32_0 = arith.constant 0 : i32
    return %arg0, %c0_i32 : i32, i32
  }
}

module attributes {stable_mosaic.version = 14 : i64} {
  func.func @_ffn_body(%arg0: i32, %arg1: memref<256x768xf32, #tpu.memory_space<vmem>>, %arg2: memref<2x768x512xf32, #tpu.memory_space<vmem>>, %arg3: memref<2x768x512xf32, #tpu.memory_space<vmem>>, %arg4: memref<2x512x768xf32, #tpu.memory_space<vmem>>, %arg5: memref<256x768xf32, #tpu.memory_space<vmem>>) attributes {dimension_semantics = [#tpu.dimension_semantics<arbitrary>], iteration_bounds = array<i64: 32>, scalar_prefetch = 0 : i64, scratch_operands = 0 : i64, tpu.core_type = #tpu.core_type<tc>, window_params = [{transform_indices = @transform_0, window_bounds = array<i64: 256, 768>}, {transform_indices = @transform_1, window_bounds = array<i64: 2, 768, 512>}, {transform_indices = @transform_2, window_bounds = array<i64: 2, 768, 512>}, {transform_indices = @transform_3, window_bounds = array<i64: 2, 512, 768>}, {transform_indices = @transform_4, window_bounds = array<i64: 256, 768>}]} {
    %get3A = arith.constant 0 : index
    %get3A_0 = arith.constant 0 : index
    %get3A_1 = vector.load %arg1[%get3A, %get3A_0] : memref<256x768xf32, #tpu.memory_space<vmem>>, vector<128x768xf32>
    %convert_element_type3A = arith.truncf %get3A_1 : vector<128x768xf32> to vector<128x768xbf16>
    %get3A_2 = arith.constant 0 : index
    %get3A_3 = arith.constant 0 : index
    %get3A_4 = arith.constant 0 : index
    %get3A_5 = vector.load %arg2[%get3A_2, %get3A_3, %get3A_4] : memref<2x768x512xf32, #tpu.memory_space<vmem>>, vector<1x768x512xf32>
    %get3A_6 = vector.shape_cast %get3A_5 : vector<1x768x512xf32> to vector<768x512xf32>
    %convert_element_type3A_7 = arith.truncf %get3A_6 : vector<768x512xf32> to vector<768x512xbf16>
    %dot_general3A = arith.constant dense<0.000000e+00> : vector<128x512xf32>
    %dot_general3A_8 = tpu.matmul %convert_element_type3A, %convert_element_type3A_7, %dot_general3A {dimension_numbers = #tpu.dot_dimension_numbers<[1], [0], [0], [1], [0, 0, 1, 1], [], []>, transpose_lhs_hint = false} : vector<128x768xbf16>, vector<768x512xbf16>, vector<128x512xf32> -> vector<128x512xf32>
    %get3A_9 = arith.constant 0 : index
    %get3A_10 = arith.constant 0 : index
    %get3A_11 = arith.constant 0 : index
    %get3A_12 = vector.load %arg3[%get3A_9, %get3A_10, %get3A_11] : memref<2x768x512xf32, #tpu.memory_space<vmem>>, vector<1x768x512xf32>
    %get3A_13 = vector.shape_cast %get3A_12 : vector<1x768x512xf32> to vector<768x512xf32>
    %convert_element_type3A_14 = arith.truncf %get3A_13 : vector<768x512xf32> to vector<768x512xbf16>
    %dot_general3A_15 = arith.constant dense<0.000000e+00> : vector<128x512xf32>
    %dot_general3A_16 = tpu.matmul %convert_element_type3A, %convert_element_type3A_14, %dot_general3A_15 {dimension_numbers = #tpu.dot_dimension_numbers<[1], [0], [0], [1], [0, 0, 1, 1], [], []>, transpose_lhs_hint = false} : vector<128x768xbf16>, vector<768x512xbf16>, vector<128x512xf32> -> vector<128x512xf32>
    %neg3A = arith.constant 0.000000e+00 : f32
    %neg3A_17 = vector.broadcast %neg3A : f32 to vector<128x512xf32>
    %neg3A_18 = arith.subf %neg3A_17, %dot_general3A_8 : vector<128x512xf32>
    %exp3A = math.exp %neg3A_18 : vector<128x512xf32>
    %add3A = arith.constant 1.000000e+00 : f32
    %add3A_19 = vector.broadcast %add3A : f32 to vector<128x512xf32>
    %add3A_20 = arith.addf %add3A_19, %exp3A : vector<128x512xf32>
    %div3A = arith.constant 1.000000e+00 : f32
    %div3A_21 = vector.broadcast %div3A : f32 to vector<128x512xf32>
    %div3A_22 = arith.divf %div3A_21, %add3A_20 : vector<128x512xf32>
    %mul3A = arith.mulf %dot_general3A_8, %div3A_22 : vector<128x512xf32>
    %mul3A_23 = arith.mulf %mul3A, %dot_general3A_16 : vector<128x512xf32>
    %convert_element_type3A_24 = arith.truncf %mul3A_23 : vector<128x512xf32> to vector<128x512xbf16>
    %get3A_25 = arith.constant 0 : index
    %get3A_26 = arith.constant 0 : index
    %get3A_27 = arith.constant 0 : index
    %get3A_28 = vector.load %arg4[%get3A_25, %get3A_26, %get3A_27] : memref<2x512x768xf32, #tpu.memory_space<vmem>>, vector<1x512x768xf32>
    %get3A_29 = vector.shape_cast %get3A_28 : vector<1x512x768xf32> to vector<512x768xf32>
    %convert_element_type3A_30 = arith.truncf %get3A_29 : vector<512x768xf32> to vector<512x768xbf16>
    %dot_general3A_31 = arith.constant dense<0.000000e+00> : vector<128x768xf32>
    %dot_general3A_32 = tpu.matmul %convert_element_type3A_24, %convert_element_type3A_30, %dot_general3A_31 {dimension_numbers = #tpu.dot_dimension_numbers<[1], [0], [0], [1], [0, 0, 1, 1], [], []>, transpose_lhs_hint = false} : vector<128x512xbf16>, vector<512x768xbf16>, vector<128x768xf32> -> vector<128x768xf32>
    %swap3A = arith.constant 0 : index
    %swap3A_33 = arith.constant 0 : index
    %swap3A_34 = vector.load %arg5[%swap3A, %swap3A_33] : memref<256x768xf32, #tpu.memory_space<vmem>>, vector<128x768xf32>
    tpu.vector_store %arg5[%swap3A, %swap3A_33], %dot_general3A_32 {strides = array<i32>} : memref<256x768xf32, #tpu.memory_space<vmem>>, vector<128x768xf32>,
    %get3A_35 = arith.constant 128 : index
    %get3A_36 = arith.constant 0 : index
    %get3A_37 = vector.load %arg1[%get3A_35, %get3A_36] : memref<256x768xf32, #tpu.memory_space<vmem>>, vector<128x768xf32>
    %convert_element_type3A_38 = arith.truncf %get3A_37 : vector<128x768xf32> to vector<128x768xbf16>
    %get3A_39 = arith.constant 1 : index
    %get3A_40 = arith.constant 0 : index
    %get3A_41 = arith.constant 0 : index
    %get3A_42 = vector.load %arg2[%get3A_39, %get3A_40, %get3A_41] : memref<2x768x512xf32, #tpu.memory_space<vmem>>, vector<1x768x512xf32>
    %get3A_43 = vector.shape_cast %get3A_42 : vector<1x768x512xf32> to vector<768x512xf32>
    %convert_element_type3A_44 = arith.truncf %get3A_43 : vector<768x512xf32> to vector<768x512xbf16>
    %dot_general3A_45 = arith.constant dense<0.000000e+00> : vector<128x512xf32>
    %dot_general3A_46 = tpu.matmul %convert_element_type3A_38, %convert_element_type3A_44, %dot_general3A_45 {dimension_numbers = #tpu.dot_dimension_numbers<[1], [0], [0], [1], [0, 0, 1, 1], [], []>, transpose_lhs_hint = false} : vector<128x768xbf16>, vector<768x512xbf16>, vector<128x512xf32> -> vector<128x512xf32>
    %get3A_47 = arith.constant 1 : index
    %get3A_48 = arith.constant 0 : index
    %get3A_49 = arith.constant 0 : index
    %get3A_50 = vector.load %arg3[%get3A_47, %get3A_48, %get3A_49] : memref<2x768x512xf32, #tpu.memory_space<vmem>>, vector<1x768x512xf32>
    %get3A_51 = vector.shape_cast %get3A_50 : vector<1x768x512xf32> to vector<768x512xf32>
    %convert_element_type3A_52 = arith.truncf %get3A_51 : vector<768x512xf32> to vector<768x512xbf16>
    %dot_general3A_53 = arith.constant dense<0.000000e+00> : vector<128x512xf32>
    %dot_general3A_54 = tpu.matmul %convert_element_type3A_38, %convert_element_type3A_52, %dot_general3A_53 {dimension_numbers = #tpu.dot_dimension_numbers<[1], [0], [0], [1], [0, 0, 1, 1], [], []>, transpose_lhs_hint = false} : vector<128x768xbf16>, vector<768x512xbf16>, vector<128x512xf32> -> vector<128x512xf32>
    %neg3A_55 = arith.constant 0.000000e+00 : f32
    %neg3A_56 = vector.broadcast %neg3A_55 : f32 to vector<128x512xf32>
    %neg3A_57 = arith.subf %neg3A_56, %dot_general3A_46 : vector<128x512xf32>
    %exp3A_58 = math.exp %neg3A_57 : vector<128x512xf32>
    %add3A_59 = arith.constant 1.000000e+00 : f32
    %add3A_60 = vector.broadcast %add3A_59 : f32 to vector<128x512xf32>
    %add3A_61 = arith.addf %add3A_60, %exp3A_58 : vector<128x512xf32>
    %div3A_62 = arith.constant 1.000000e+00 : f32
    %div3A_63 = vector.broadcast %div3A_62 : f32 to vector<128x512xf32>
    %div3A_64 = arith.divf %div3A_63, %add3A_61 : vector<128x512xf32>
    %mul3A_65 = arith.mulf %dot_general3A_46, %div3A_64 : vector<128x512xf32>
    %mul3A_66 = arith.mulf %mul3A_65, %dot_general3A_54 : vector<128x512xf32>
    %convert_element_type3A_67 = arith.truncf %mul3A_66 : vector<128x512xf32> to vector<128x512xbf16>
    %get3A_68 = arith.constant 1 : index
    %get3A_69 = arith.constant 0 : index
    %get3A_70 = arith.constant 0 : index
    %get3A_71 = vector.load %arg4[%get3A_68, %get3A_69, %get3A_70] : memref<2x512x768xf32, #tpu.memory_space<vmem>>, vector<1x512x768xf32>
    %get3A_72 = vector.shape_cast %get3A_71 : vector<1x512x768xf32> to vector<512x768xf32>
    %convert_element_type3A_73 = arith.truncf %get3A_72 : vector<512x768xf32> to vector<512x768xbf16>
    %dot_general3A_74 = arith.constant dense<0.000000e+00> : vector<128x768xf32>
    %dot_general3A_75 = tpu.matmul %convert_element_type3A_67, %convert_element_type3A_73, %dot_general3A_74 {dimension_numbers = #tpu.dot_dimension_numbers<[1], [0], [0], [1], [0, 0, 1, 1], [], []>, transpose_lhs_hint = false} : vector<128x512xbf16>, vector<512x768xbf16>, vector<128x768xf32> -> vector<128x768xf32>
    %swap3A_76 = arith.constant 128 : index
    %swap3A_77 = arith.constant 0 : index
    %swap3A_78 = vector.load %arg5[%swap3A_76, %swap3A_77] : memref<256x768xf32, #tpu.memory_space<vmem>>, vector<128x768xf32>
    tpu.vector_store %arg5[%swap3A_76, %swap3A_77], %dot_general3A_75 {strides = array<i32>} : memref<256x768xf32, #tpu.memory_space<vmem>>, vector<128x768xf32>,
    return
  }
  func.func @transform_0(%arg0: i32) -> (i32, i32) {
    %c0_i32 = arith.constant 0 : i32
    %c0_i32_0 = arith.constant 0 : i32
    return %arg0, %c0_i32 : i32, i32
  }
  func.func @transform_1(%arg0: i32) -> (i32, i32, i32) {
    %c0_i32 = arith.constant 0 : i32
    %c0_i32_0 = arith.constant 0 : i32
    %c0_i32_1 = arith.constant 0 : i32
    return %arg0, %c0_i32, %c0_i32_0 : i32, i32, i32
  }
  func.func @transform_2(%arg0: i32) -> (i32, i32, i32) {
    %c0_i32 = arith.constant 0 : i32
    %c0_i32_0 = arith.constant 0 : i32
    %c0_i32_1 = arith.constant 0 : i32
    return %arg0, %c0_i32, %c0_i32_0 : i32, i32, i32
  }
  func.func @transform_3(%arg0: i32) -> (i32, i32, i32) {
    %c0_i32 = arith.constant 0 : i32
    %c0_i32_0 = arith.constant 0 : i32
    %c0_i32_1 = arith.constant 0 : i32
    return %arg0, %c0_i32, %c0_i32_0 : i32, i32, i32
  }
  func.func @transform_4(%arg0: i32) -> (i32, i32) {
    %c0_i32 = arith.constant 0 : i32
    %c0_i32_0 = arith.constant 0 : i32
    return %arg0, %c0_i32 : i32, i32
  }
}

module attributes {stable_mosaic.version = 14 : i64} {
  func.func @_final_body(%arg0: i32, %arg1: memref<256x768xf32, #tpu.memory_space<vmem>>, %arg2: memref<256x768xf32, #tpu.memory_space<vmem>>, %arg3: memref<256x768xf32, #tpu.memory_space<vmem>>, %arg4: memref<256x4xf32, #tpu.memory_space<vmem>>, %arg5: memref<256x768xf32, #tpu.memory_space<vmem>>) attributes {dimension_semantics = [#tpu.dimension_semantics<arbitrary>], iteration_bounds = array<i64: 8>, scalar_prefetch = 0 : i64, scratch_operands = 0 : i64, tpu.core_type = #tpu.core_type<tc>, window_params = [{transform_indices = @transform_0, window_bounds = array<i64: 256, 768>}, {transform_indices = @transform_1, window_bounds = array<i64: 256, 768>}, {transform_indices = @transform_2, window_bounds = array<i64: 256, 768>}, {transform_indices = @transform_3, window_bounds = array<i64: 256, 4>}, {transform_indices = @transform_4, window_bounds = array<i64: 256, 768>}]} {
    %get3A = arith.constant 0 : index
    %get3A_0 = arith.constant 0 : index
    %get3A_1 = vector.load %arg1[%get3A, %get3A_0] : memref<256x768xf32, #tpu.memory_space<vmem>>, vector<256x768xf32>
    %get3A_2 = arith.constant 0 : index
    %get3A_3 = arith.constant 0 : index
    %get3A_4 = vector.load %arg4[%get3A_2, %get3A_3] : memref<256x4xf32, #tpu.memory_space<vmem>>, vector<256x1xf32>
    %get3A_5 = arith.constant 0 : index
    %get3A_6 = arith.constant 0 : index
    %get3A_7 = vector.load %arg2[%get3A_5, %get3A_6] : memref<256x768xf32, #tpu.memory_space<vmem>>, vector<256x768xf32>
    %mul3A = vector.broadcast %get3A_4 : vector<256x1xf32> to vector<256x768xf32>
    %mul3A_8 = arith.mulf %mul3A, %get3A_7 : vector<256x768xf32>
    %add3A = arith.addf %get3A_1, %mul3A_8 : vector<256x768xf32>
    %get3A_9 = arith.constant 0 : index
    %get3A_10 = arith.constant 1 : index
    %get3A_11 = vector.load %arg4[%get3A_9, %get3A_10] : memref<256x4xf32, #tpu.memory_space<vmem>>, vector<256x1xf32>
    %get3A_12 = arith.constant 0 : index
    %get3A_13 = arith.constant 0 : index
    %get3A_14 = vector.load %arg3[%get3A_12, %get3A_13] : memref<256x768xf32, #tpu.memory_space<vmem>>, vector<256x768xf32>
    %mul3A_15 = vector.broadcast %get3A_11 : vector<256x1xf32> to vector<256x768xf32>
    %mul3A_16 = arith.mulf %mul3A_15, %get3A_14 : vector<256x768xf32>
    %add3A_17 = arith.addf %add3A, %mul3A_16 : vector<256x768xf32>
    %swap3A = arith.constant 0 : index
    %swap3A_18 = arith.constant 0 : index
    %swap3A_19 = vector.load %arg5[%swap3A, %swap3A_18] : memref<256x768xf32, #tpu.memory_space<vmem>>, vector<256x768xf32>
    tpu.vector_store %arg5[%swap3A, %swap3A_18], %add3A_17 {strides = array<i32>} : memref<256x768xf32, #tpu.memory_space<vmem>>, vector<256x768xf32>,
    return
  }
  func.func @transform_0(%arg0: i32) -> (i32, i32) {
    %c0_i32 = arith.constant 0 : i32
    %c0_i32_0 = arith.constant 0 : i32
    return %arg0, %c0_i32 : i32, i32
  }
  func.func @transform_1(%arg0: i32) -> (i32, i32) {
    %c0_i32 = arith.constant 0 : i32
    %c0_i32_0 = arith.constant 0 : i32
    return %arg0, %c0_i32 : i32, i32
  }
  func.func @transform_2(%arg0: i32) -> (i32, i32) {
    %c0_i32 = arith.constant 0 : i32
    %c0_i32_0 = arith.constant 0 : i32
    return %arg0, %c0_i32 : i32, i32
  }
  func.func @transform_3(%arg0: i32) -> (i32, i32) {
    %c0_i32 = arith.constant 0 : i32
    %c0_i32_0 = arith.constant 0 : i32
    return %arg0, %c0_i32 : i32, i32
  }
  func.func @transform_4(%arg0: i32) -> (i32, i32) {
    %c0_i32 = arith.constant 0 : i32
    %c0_i32_0 = arith.constant 0 : i32
    return %arg0, %c0_i32 : i32, i32
  }
}

</mosaic_0001>

<sc_bundles>
// kernel: kernel.10.cloned.1.call-start
scs
__scs_entry_jumppad:
0x0: {  	(pc) =	sbr.rel $0x88, $3  }
0x1: {  	(tag) =	ssettag $0x0;
	lr =	simm.s32 $0x1  }
0x2: {  	[smem:$0x3F96] =	sst lr;
	_ =	strace $0xD0000000  }
0x3: {  	_ = 	snop  }
0x4: {  	_ = 	snop  }
0x5: {  	_ = 	snop  }
0x6: {  	_ = 	snop  }
0x7: {  	_ = 	snop  }
__scs_overlays_trampoline_lowered:
0x8: {  	[smem:$0x3FA5] =	sst s0  }
0x9: {  	[smem:$0x3FA6] =	sst s1  }
0xa: {  	[smem:$0x3FA7] =	sst s2  }
0xb: {  	[smem:$0x3FA8] =	sst s3  }
0xc: {  	[smem:$0x3FA9] =	sst s4  }
0xd: {  	[smem:$0x3FAA] =	sst s5  }
0xe: {  	[smem:$0x3FAB] =	sst s6  }
0xf: {  	[smem:$0x3FAC] =	sst s7  }
0x10: {  	[smem:$0x3FAD] =	sst s8  }
0x11: {  	[smem:$0x3FAE] =	sst s9;
	s0 =	simm.s32 @!p0 $0x0  }
0x12: {  	s1 =	sld [smem:$0x3F94];
	s0 =	simm.s32 @p0 $0x1  }
0x13: {  	[smem:$0x3FAF] =	sst s0;
	s0 =	simm.s32 @!p1 $0x0  }
0x14: {  	s2 =	sld [smem:$0x3F93];
	s0 =	simm.s32 @p1 $0x1  }
0x15: {  	[smem:$0x3FB0] =	sst s0;
	s0 =	simm.s32 @!p2 $0x0  }
0x16: {  	s3 =	sld [smem:$0x3FDB];
	s0 =	simm.s32 @p2 $0x1  }
0x17: {  	s4 =	simm.s32 $0x1BF5;
	[smem:$0x3FB2] =	sst s0  }
0x18: {  	s0 =	sld [smem:$0x3F95];
	_ =	swait.ge [sflag:s4], $0x0  }
0x19: {  	s7 =	sld [smem:$0x3F96]  }
0x1a: {  	s8 =	sadd.s32 $0xFFFFE003, lr  }
0x1b: {  	s9 =	sadd.s32 $0xFFFFFEF7, lr;
	s5 =	simm.s32 $0xFFFFFFFF;
	p2 =	slt.u32 s8, $0xFFFFF086  }
0x1c: {  	p1 =	slt.u32 s9, $0xF7A;
	s5 =	simm.s32 @!p2 $0x0  }
0x1d: {  	s5 =	simm.s32 @p1 $0x1;
	p0 =	seq.s32 s7, s2  }
0x1e: {  	s7 =	smul.u32 @!p0 $0xF7A, s2;
	p2 =	seq.s32 @!p0 s5, $0x0  }
0x1f: {  	s9 =	smul.u32 $0xF7A, s1;
	s8 =	simm.s32 @!p0 $0x1BF5;
	p2 =	por !p2, p0  }
0x20: {  	[sflag:s8] =	ssyncset.s32 @!p0 $0xFFFFF086;
	s6 =	sadd.s32 @!p0 s3, s7;
	s7 =	simm.s32 @!p0 $0x108  }
0x21: {  	s3 =	sadd.s32 s3, s9;
	s6 =	sadd.s32 @!p0 $0x88, s6;
	s7 =	simm.s32 @p2 $0x1082  }
0x22: {  	[simem:s7], [sflag:s8] =	dma.local @!p0 [hbm:s6], $0xF7A  }
0x23: {  	s9 =	sor.u32 $0xD0000000, s2;
	s6 =	simm.s32 $0x108;
	_ =	swait.ge @!p0 [sflag:s8], $0x0  }
0x24: {  	s3 =	sadd.s32 $0x88, s3;
	s6 =	simm.s32 @!p1 $0x1082;
	[sflag:s4] =	ssyncset.s32 $0xFFFFF086  }
0x25: {  	[simem:s6], [sflag:s4] =	dma.local [hbm:s3], $0xF7A  }
0x26: {  	[smem:$0x3F96] =	sst s1;
	(tag) =	ssettag s2;
	_ =	strace s9  }
0x27: {  	s1 =	sld [smem:$0x3FA6]  }
0x28: {  	s2 =	sld [smem:$0x3FA7]  }
0x29: {  	s4 =	sld [smem:$0x3FA9]  }
0x2a: {  	p0 =	seq.s32 s5, $0x0;
	s5 =	sld [smem:$0x3FAA]  }
0x2b: {  	s6 =	sld [smem:$0x3FAB]  }
0x2c: {  	s7 =	sld [smem:$0x3FAC]  }
0x2d: {  	s3 =	simm.s32 $0x108;
	s8 =	sld [smem:$0x3FAD]  }
0x2e: {  	s3 =	simm.s32 @!p0 $0x1082;
	s9 =	sld [smem:$0x3FAE]  }
0x2f: {  	lr =	sadd.s32 s0, s3;
	s0 =	sld [smem:$0x3FA5]  }
0x30: {  	s3 =	sld [smem:$0x3FA8]  }
0x31: {  	[smem:$0x3FB1] =	sst s10  }
0x32: {  	s10 =	sld [smem:$0x3FAF];
	_ =	sdelay $0x3  }
0x33: {  	p0 =	seq.s32 s10, $0x1;
	s10 =	sld [smem:$0x3FB1];
	_ =	sdelay $0x3  }
0x34: {  	[smem:$0x3FB1] =	sst s10  }
0x35: {  	s10 =	sld [smem:$0x3FB0];
	_ =	sdelay $0x3  }
0x36: {  	p1 =	seq.s32 s10, $0x1;
	s10 =	sld [smem:$0x3FB1];
	_ =	sdelay $0x3  }
0x37: {  	[smem:$0x3FB1] =	sst s10  }
0x38: {  	s10 =	sld [smem:$0x3FB2]  }
0x39: {  	_ = 	snop;
	(pc) =	sbr.ind lr, $3  }
0x3a: {  	_ = 	snop  }
0x3b: {  	_ = 	snop  }
0x3c: {  	p2 =	seq.s32 s10, $0x1;
	s10 =	sld [smem:$0x3FB1]  }
0x3d: {  	_ =	shalt  }
0x3e: {  	_ =	shalt  }
0x3f: {  	_ =	shalt  }
0x40: {  	_ =	shalt  }
0x41: {  	_ =	shalt  }
0x42: {  	_ =	shalt  }
0x43: {  	_ =	shalt  }
0x44: {  	_ =	shalt  }
0x45: {  	_ =	shalt  }
0x46: {  	_ =	shalt  }
0x47: {  	_ =	shalt  }
0x48: {  	_ =	shalt  }
0x49: {  	_ =	shalt  }
0x4a: {  	_ =	shalt  }
0x4b: {  	_ =	shalt  }
0x4c: {  	_ =	shalt  }
0x4d: {  	_ =	shalt  }
0x4e: {  	_ =	shalt  }
0x4f: {  	_ =	shalt  }
0x50: {  	_ =	shalt  }
0x51: {  	_ =	shalt  }
0x52: {  	_ =	shalt  }
0x53: {  	_ =	shalt  }
0x54: {  	_ =	shalt  }
0x55: {  	_ =	shalt  }
0x56: {  	_ =	shalt  }
0x57: {  	_ =	shalt  }
0x58: {  	_ =	shalt  }
0x59: {  	_ =	shalt  }
0x5a: {  	_ =	shalt  }
0x5b: {  	_ =	shalt  }
0x5c: {  	_ =	shalt  }
0x5d: {  	_ =	shalt  }
0x5e: {  	_ =	shalt  }
0x5f: {  	_ =	shalt  }
0x60: {  	_ =	shalt  }
0x61: {  	_ =	shalt  }
0x62: {  	_ =	shalt  }
0x63: {  	_ =	shalt  }
0x64: {  	_ =	shalt  }
0x65: {  	_ =	shalt  }
0x66: {  	_ =	shalt  }
0x67: {  	_ =	shalt  }
0x68: {  	_ =	shalt  }
0x69: {  	_ =	shalt  }
0x6a: {  	_ =	shalt  }
0x6b: {  	_ =	shalt  }
0x6c: {  	_ =	shalt  }
0x6d: {  	_ =	shalt  }
0x6e: {  	_ =	shalt  }
0x6f: {  	_ =	shalt  }
0x70: {  	_ =	shalt  }
0x71: {  	_ =	shalt  }
0x72: {  	_ =	shalt  }
0x73: {  	_ =	shalt  }
0x74: {  	_ =	shalt  }
0x75: {  	_ =	shalt  }
0x76: {  	_ =	shalt  }
0x77: {  	_ =	shalt  }
0x78: {  	_ =	shalt  }
0x79: {  	_ =	shalt  }
0x7a: {  	_ =	shalt  }
0x7b: {  	_ =	shalt  }
0x7c: {  	_ =	shalt  }
0x7d: {  	_ =	shalt  }
0x7e: {  	_ =	shalt  }
0x7f: {  	_ =	shalt  }
0x80: {  	_ =	shalt  }
0x81: {  	_ =	shalt  }
0x82: {  	_ =	shalt  }
0x83: {  	_ =	shalt  }
0x84: {  	_ =	shalt  }
0x85: {  	_ =	shalt  }
0x86: {  	_ =	shalt  }
0x87: {  	_ =	shalt  }
.Lfunc_end0:
.L_simem_size_0:
called_computation_lowered:
.L_overlay_start_0:
0x88: {  	s2 =	sld [smem:$0x3FD9]  }
0x89: {  	s3 =	sld [smem:$0x3FFE];
	_ =	sdelay $0x1  }
0x8a: {  	s1 =	srdreg.scid  }
0x8b: {  	s0 =	sand.u32 $0x1, s1  }
0x8c: {  	s16 =	sshll.u32 s0, $0xA;
	s2 =	sadd.s32 s3, s2  }
0x8d: {  	s2 =	sadd.s32 s2, s16  }
0x8e: {  	[smem:$0x3FBD] =	sst s2  }
0x8f: {  	_ = 	snop  }
0x90: {  	(tm) =	ssettm $0x1  }
0x91: {  	s17 =	sld [smem:$0x3FFB];
	_ =	sdelay $0x3  }
0x92: {  	_ =	strace s17  }
0x93: {  	s2 =	sld [smem:$0x3FFC];
	_ =	sdelay $0x3  }
0x94: {  	_ =	strace s2  }
0x95: {  	s2 =	sld [smem:$0x3FFD];
	_ =	sdelay $0x3  }
0x96: {  	_ =	strace s2  }
0x97: {  	_ =	strace $0x8FFFFFFF  }
0x98: {  	s18 =	sld [smem:$0x3FDB];
	_ =	sdelay $0x1  }
0x99: {  	s19 =	simm.s32 $_scs_section_size  }
0x9a: {  	s4 =	simm.s32 $_size__tile_overlayer_lowered;
	s5 =	simm.s32 $_tile_overlayer_lowered  }
0x9b: {  	s22 =	simm.s32 $0x1BFF;
	s21 =	sshll.u32 s5, $0x1;
	s2 =	sadd.s32 s19, s18  }
0x9c: {  	s6 =	simm.s32 $0x0;
	s20 =	sshll.u32 s4, $0x1;
	s4 =	sadd.s32 s21, s2  }
0x9d: {  	[timem:s6], [sflag:s22] =	dma.local [hbm:s4], s20  }
0x9e: {  	_ =	swait.ge [sflag:s22], s20  }
0x9f: {  	s3 =	ssub.s32 $0x0, s20;
	[sflag:s22] =	ssyncset.done $0x0  }
0xa0: {  	[sflag:s22] =	ssyncadd.s32 s3;
	_ =	sdelay $0x1  }
0xa1: {  	s23 =	simm.s32 $0x1B8B  }
0xa2: {  	_ =	swait.ge [sflag:s23], $0x1  }
0xa3: {  	[sflag:s23] =	ssyncset.done $0x0  }
0xa4: {  	s25 =	simm.s32 $0x1B8E;
	s24 =	sld [smem:$0x3FFE];
	[sflag:s23] =	ssyncadd.s32 $0xFFFFFFFF  }
0xa5: {  	s26 =	simm.s32 $execute0_lowered;
	[smem:$0x3FD2] =	sst s25  }
0xa6: {  	s4 =	sshll.u32 s26, $0x1;
	_ =	strace $0x80000046;
	[dreg:$0x1] =	wrdreg $0xFFFFFFFF  }
0xa7: {  	s28 =	simm.s32 $_size_execute0_lowered;
	s2 =	sadd.s32 s2, s4;
	[dreg:$0x0] =	wrdreg $0x0  }
0xa8: {  	s4 =	sshll.u32 s28, $0x1;
	[dreg:$0x2] =	wrdreg s2  }
0xa9: {  	[dreg:$0x3] =	wrdreg s4  }
0xaa: {  	[dreg:$0x4] =	wrdreg $0xC0  }
0xab: {  	_ =	task [dreg:s6], $0x5FFFF  }
0xac: {  	[dreg:$0x1] =	wrdreg $0xFFFFFFFF  }
0xad: {  	[dreg:$0x0] =	wrdreg $0x60  }
0xae: {  	[dreg:$0x2] =	wrdreg s24  }
0xaf: {  	[dreg:$0x3] =	wrdreg $0x9  }
0xb0: {  	_ =	task.clear_ibuf [dreg:s6], $0x4FFFF;
	_ =	strace $0x90000046  }
0xb1: {  	s29 =	simm.s32 $0x9;
	_ =	strace $0x80000048  }
0xb2: {  	_ =	swait.ge [sflag:s29], $0x1  }
0xb3: {  	[sflag:s29] =	ssyncadd.s32 $0xFFFFFFFF  }
0xb4: {  	_ =	strace $0x90000048  }
0xb5: {  	_ =	sfence  }
0xb6: {  	s30 =	sld [smem:$0x0];
	_ =	sdelay $0x2  }
0xb7: {  	s31 =	sshll.u32 s1, $0xD;
	s1 =	sshrl.u32 s1, $0x2  }
0xb8: {  	s3 =	sand.u32 $0x4000, s31;
	s1 =	sadd.s32 s1, s30  }
0xb9: {  	s0 =	sor.u32 s3, s0;
	s1 =	sshll.u32 s1, $0x11  }
0xba: {  	s0 =	sor.u32 s1, s0  }
0xbb: {  	s0 =	sadd.s32 $0x8F2B, s0  }
0xbc: {  	[sflag:s0] =	ssyncadd.remote.s32 $0x1  }
0xbd: {  	_ =	sfence.sel $0xFFFF  }
0xbe: {  	[dreg:$0x0] =	wrdreg $0xFFFFFFFF;
	(pc) =	sbr.abs _section_cstart, $3  }
0xbf: {  	[dreg:$0x1] =	wrdreg $0xFFFFFFFF  }
0xc0: {  	_ =	task.clear_ibuf [dreg:s6], $0x2FFFF;
	_ =	strace $0x9FFFFFFF  }
0xc1: {  	(tm) =	ssettm $0x7FFFFFFF  }
tec
execute0_lowered:
.L_overlay_start_1:
0x0: {  	(tag) =	ssettag $0x1  }
0x1: {  	s0 =	srdreg.scid;
	s2 =	stileid.u32  }
0x2: {  	s1 =	rddreg [dreg:$0x0];
	s26 =	simm.s32 $0x80;
	s12 =	simm.s32 $0x5  }
0x3: {  	s8 =	simm.s32 $0x100;
	s16 =	simm.s32 $0x2100;
	s17 =	simm.s32 $0x2900  }
0x4: {  	s18 =	simm.s32 $0x3100;
	s19 =	simm.s32 $0x3900;
	s20 =	simm.s32 $0x4100  }
0x5: {  	s21 =	simm.s32 $0x4900;
	s22 =	simm.s32 $0x5100;
	s23 =	simm.s32 $0x5900  }
0x6: {  	s24 =	simm.s32 $0x6100;
	s28 =	simm.s32 $0x7900;
	s29 =	simm.s32 $0x8100  }
0x7: {  	s30 =	simm.s32 $0x8900;
	s31 =	simm.s32 $0x9100;
	s7 =	simm.s32 $0xA900  }
0x8: {  	s9 =	simm.s32 $0xB100;
	s10 =	simm.s32 $0xB900;
	s11 =	simm.s32 $0x2  }
0x9: {  	s0 =	sand.u32 $0x1, s0;
	s3 =	sshll.u32 s2, $0x4;
	s2 =	simm.s32 $0x0  }
0xa: {  	s4 =	sshll.u32 s0, $0x3;
	[smem:$0x7FF] =	sst s2;
	s0 =	ssub.s32 $0x2, s0  }
0xb: {  	s3 =	sor.u32 s4, s3;
	_ =	strace $0x80000047;
	s25 =	sshrl.u32 s0, $0x1  }
0xc: {  	[dreg:$0x5] =	wrdreg s26;
	s26 =	simm.s32 $0x7100;
	s5 =	sadd.s32 s3, s1  }
0xd: {  	s4 =	smul.u32 $0x300, s3;
	s3 =	sadd.s32 $0x3A200, s1;
	s6 =	sadd.s32 $0x39C00, s5  }
0xe: {  	s0 =	ssub.s32 s0, s25;
	s5 =	sadd.s32 $0x39A00, s5;
	[dreg:$0x2] =	wrdreg s6  }
0xf: {  	v2 =	vlaneseq.u32;
	s25 =	simm.s32 $0x6900;
	s4 =	sadd.s32 s4, s1;
	[dreg:$0x3] =	wrdreg s5  }
0x10: {  	vm0 =	vmmov $0xffff;
	v1 =	vshrl.u32 v2, $0x3;
	s5 =	sadd.s32 $0x3A400, s1;
	s6 =	smax.u32 s0, $0x1;
	s4 =	sadd.s32 $0x1A00, s4  }
0x11: {  	v0 =	vand.u32 $0x7, v2;
	v2 =	vor.u32 $0x8, v2;
	v1 =	vmul.u32 $0x8, v1;
	[dreg:$0x4] =	wrdreg s4;
	s4 =	sadd.s32 $0x3A300, s1;
	s1 =	simm.s32 $0x9900  }
.LBB2_1:
0x12: {  	s13 =	rddreg [dreg:$0x2]  }
0x13: {  	s14 =	rddreg [dreg:$0x3]  }
0x14: {  	[tilespmem:s2], [sflag:$0x1] =	stream.linear.gather [hbm4b:s13+s2], $0x40, $0x38;
	[tilespmem:$0xC100] =	vst v63  }
0x15: {  	s15 =	rddreg [dreg:$0x5]  }
0x16: {  	[tilespmem:s15], [sflag:$0x2] =	stream.linear.gather [hbm4b:s14+s2], $0x40, $0x38;
	[tilespmem:$0xC100] =	vst v63  }
0x17: {  	s0 =	rddreg [dreg:$0x4]  }
0x18: {  	[tilespmem:s8], [sflag:$0x3] =	stream.linear.gather [hbm4b:s0+s2], $0xC000, $0x38;
	[tilespmem:$0xC100] =	vst v63  }
0x19: {  	s0 =	simm.s32 $0x1  }
0x1a: {  	_ =	swait.ge [sflag:s0], $0x40  }
0x1b: {  	[sflag:s0] =	ssyncset.done $0x0  }
0x1c: {  	s14 =	simm.s32 $0x3;
	[sflag:s0] =	ssyncadd.s32 $0xFFFFFFC0  }
0x1d: {  	_ =	swait.ge [sflag:s14], $0xC000  }
0x1e: {  	[sflag:s14] =	ssyncset.done $0x0  }
0x1f: {  	[sflag:s14] =	ssyncadd.s32 $0xFFFF4000  }
0x20: {  	v3 =	vld [tilespmem:$0x0];
	_ =	sdelay $0x4  }
0x21: {  	v4 =	vshrl.u32 v3, $0x3  }
0x22: {  	v4 =	vmul.u32 $0x30, v4  }
0x23: {  	v3 =	vand.u32 $0x7, v3  }
0x24: {  	v3 =	vor.u32 v3, v4  }
0x25: {  	v4 =	vperm.xlane v3, v0;
	_ =	sdelay $0x1  }
0x26: {  	v4 =	vadd.s32 v1, v4;
	_ =	sdelay $0x3  }
0x27: {  	v3 =	vperm.xlane v3, v2  }
0x28: {  	[hbm4b:s3+s2] =	stream.indirect_vreg.scatter [tilespmem:s8], [sflag:$0x4], $0x80, v4, vm0, $0xb8;
	[tilespmem:$0xC100] =	vst v63  }
0x29: {  	s13 =	simm.s32 $0x900;
	v3 =	vadd.s32 v1, v3  }
0x2a: {  	[hbm4b:s4+s2] =	stream.indirect_vreg.scatter [tilespmem:s13], [sflag:$0x4], $0x80, v4, vm0, $0xb8;
	[tilespmem:$0xC100] =	vst v63  }
0x2b: {  	s14 =	simm.s32 $0x1100  }
0x2c: {  	[hbm4b:s5+s2] =	stream.indirect_vreg.scatter [tilespmem:s14], [sflag:$0x4], $0x80, v4, vm0, $0xb8;
	[tilespmem:$0xC100] =	vst v63  }
0x2d: {  	s15 =	simm.s32 $0x1900  }
0x2e: {  	[hbm4b:s3+s2] =	stream.indirect_vreg.scatter [tilespmem:s15], [sflag:$0x4], $0x80, v3, vm0, $0xb8;
	[tilespmem:$0xC100] =	vst v63  }
0x2f: {  	_ = 	snop  }
0x30: {  	[hbm4b:s4+s2] =	stream.indirect_vreg.scatter [tilespmem:s16], [sflag:$0x4], $0x80, v3, vm0, $0xb8;
	[tilespmem:$0xC100] =	vst v63  }
0x31: {  	_ = 	snop  }
0x32: {  	[hbm4b:s5+s2] =	stream.indirect_vreg.scatter [tilespmem:s17], [sflag:$0x4], $0x80, v3, vm0, $0xb8;
	[tilespmem:$0xC100] =	vst v63  }
0x33: {  	v3 =	vld [tilespmem:$0x10];
	_ =	sdelay $0x4  }
0x34: {  	v57 =	vshrl.u32 v3, $0x3  }
0x35: {  	v4 =	vmul.u32 $0x30, v57  }
0x36: {  	v3 =	vand.u32 $0x7, v3  }
0x37: {  	v3 =	vor.u32 v3, v4  }
0x38: {  	v4 =	vperm.xlane v3, v0;
	_ =	sdelay $0x1  }
0x39: {  	v4 =	vadd.s32 v1, v4;
	_ =	sdelay $0x3  }
0x3a: {  	v3 =	vperm.xlane v3, v2  }
0x3b: {  	[hbm4b:s3+s2] =	stream.indirect_vreg.scatter [tilespmem:s18], [sflag:$0x4], $0x80, v4, vm0, $0xb8;
	[tilespmem:$0xC100] =	vst v63  }
0x3c: {  	v3 =	vadd.s32 v1, v3  }
0x3d: {  	[hbm4b:s4+s2] =	stream.indirect_vreg.scatter [tilespmem:s19], [sflag:$0x4], $0x80, v4, vm0, $0xb8;
	[tilespmem:$0xC100] =	vst v63  }
0x3e: {  	_ = 	snop  }
0x3f: {  	[hbm4b:s5+s2] =	stream.indirect_vreg.scatter [tilespmem:s20], [sflag:$0x4], $0x80, v4, vm0, $0xb8;
	[tilespmem:$0xC100] =	vst v63  }
0x40: {  	_ = 	snop  }
0x41: {  	[hbm4b:s3+s2] =	stream.indirect_vreg.scatter [tilespmem:s21], [sflag:$0x4], $0x80, v3, vm0, $0xb8;
	[tilespmem:$0xC100] =	vst v63  }
0x42: {  	_ = 	snop  }
0x43: {  	[hbm4b:s4+s2] =	stream.indirect_vreg.scatter [tilespmem:s22], [sflag:$0x4], $0x80, v3, vm0, $0xb8;
	[tilespmem:$0xC100] =	vst v63  }
0x44: {  	_ = 	snop  }
0x45: {  	[hbm4b:s5+s2] =	stream.indirect_vreg.scatter [tilespmem:s23], [sflag:$0x4], $0x80, v3, vm0, $0xb8;
	[tilespmem:$0xC100] =	vst v63  }
0x46: {  	v3 =	vld [tilespmem:$0x20];
	_ =	sdelay $0x4  }
0x47: {  	v58 =	vshrl.u32 v3, $0x3  }
0x48: {  	v4 =	vmul.u32 $0x30, v58  }
0x49: {  	v3 =	vand.u32 $0x7, v3  }
0x4a: {  	v3 =	vor.u32 v3, v4  }
0x4b: {  	v4 =	vperm.xlane v3, v0;
	_ =	sdelay $0x1  }
0x4c: {  	v4 =	vadd.s32 v1, v4;
	_ =	sdelay $0x3  }
0x4d: {  	v3 =	vperm.xlane v3, v2  }
0x4e: {  	[hbm4b:s3+s2] =	stream.indirect_vreg.scatter [tilespmem:s24], [sflag:$0x4], $0x80, v4, vm0, $0xb8;
	[tilespmem:$0xC100] =	vst v63  }
0x4f: {  	v3 =	vadd.s32 v1, v3  }
0x50: {  	[hbm4b:s4+s2] =	stream.indirect_vreg.scatter [tilespmem:s25], [sflag:$0x4], $0x80, v4, vm0, $0xb8;
	[tilespmem:$0xC100] =	vst v63  }
0x51: {  	_ = 	snop  }
0x52: {  	[hbm4b:s5+s2] =	stream.indirect_vreg.scatter [tilespmem:s26], [sflag:$0x4], $0x80, v4, vm0, $0xb8;
	[tilespmem:$0xC100] =	vst v63  }
0x53: {  	_ = 	snop  }
0x54: {  	[hbm4b:s3+s2] =	stream.indirect_vreg.scatter [tilespmem:s28], [sflag:$0x4], $0x80, v3, vm0, $0xb8;
	[tilespmem:$0xC100] =	vst v63  }
0x55: {  	_ = 	snop  }
0x56: {  	[hbm4b:s4+s2] =	stream.indirect_vreg.scatter [tilespmem:s29], [sflag:$0x4], $0x80, v3, vm0, $0xb8;
	[tilespmem:$0xC100] =	vst v63  }
0x57: {  	_ = 	snop  }
0x58: {  	[hbm4b:s5+s2] =	stream.indirect_vreg.scatter [tilespmem:s30], [sflag:$0x4], $0x80, v3, vm0, $0xb8;
	[tilespmem:$0xC100] =	vst v63  }
0x59: {  	v3 =	vld [tilespmem:$0x30];
	_ =	sdelay $0x4  }
0x5a: {  	v59 =	vshrl.u32 v3, $0x3  }
0x5b: {  	v4 =	vmul.u32 $0x30, v59  }
0x5c: {  	v3 =	vand.u32 $0x7, v3  }
0x5d: {  	v3 =	vor.u32 v3, v4  }
0x5e: {  	v4 =	vperm.xlane v3, v0;
	_ =	sdelay $0x1  }
0x5f: {  	v4 =	vadd.s32 v1, v4;
	_ =	sdelay $0x3  }
0x60: {  	v3 =	vperm.xlane v3, v2  }
0x61: {  	[hbm4b:s3+s2] =	stream.indirect_vreg.scatter [tilespmem:s31], [sflag:$0x4], $0x80, v4, vm0, $0xb8;
	[tilespmem:$0xC100] =	vst v63  }
0x62: {  	v3 =	vadd.s32 v1, v3  }
0x63: {  	[hbm4b:s4+s2] =	stream.indirect_vreg.scatter [tilespmem:s1], [sflag:$0x4], $0x80, v4, vm0, $0xb8;
	[tilespmem:$0xC100] =	vst v63  }
0x64: {  	s0 =	simm.s32 $0xA100  }
0x65: {  	[hbm4b:s5+s2] =	stream.indirect_vreg.scatter [tilespmem:s0], [sflag:$0x4], $0x80, v4, vm0, $0xb8;
	[tilespmem:$0xC100] =	vst v63  }
0x66: {  	_ = 	snop  }
0x67: {  	[hbm4b:s3+s2] =	stream.indirect_vreg.scatter [tilespmem:s7], [sflag:$0x4], $0x80, v3, vm0, $0xb8;
	[tilespmem:$0xC100] =	vst v63  }
0x68: {  	_ = 	snop  }
0x69: {  	[hbm4b:s4+s2] =	stream.indirect_vreg.scatter [tilespmem:s9], [sflag:$0x4], $0x80, v3, vm0, $0xb8;
	[tilespmem:$0xC100] =	vst v63  }
0x6a: {  	_ = 	snop  }
0x6b: {  	[hbm4b:s5+s2] =	stream.indirect_vreg.scatter [tilespmem:s10], [sflag:$0x4], $0x80, v3, vm0, $0xb8;
	[tilespmem:$0xC100] =	vst v63  }
0x6c: {  	_ =	swait.ge [sflag:s11], $0x40  }
0x6d: {  	[sflag:s11] =	ssyncset.done $0x0  }
0x6e: {  	[sflag:s11] =	ssyncadd.s32 $0xFFFFFFC0  }
0x6f: {  	v3 =	vld [tilespmem:$0x80];
	_ =	sdelay $0x4  }
0x70: {  	v60 =	vshrl.u32 v3, $0x3  }
0x71: {  	v4 =	vmul.u32 $0x30, v60  }
0x72: {  	v3 =	vand.u32 $0x7, v3  }
0x73: {  	v3 =	vor.u32 v3, v4  }
0x74: {  	v4 =	vperm.xlane v3, v0;
	_ =	sdelay $0x1  }
0x75: {  	v4 =	vadd.s32 v1, v4;
	_ =	sdelay $0x3  }
0x76: {  	v3 =	vperm.xlane v3, v2  }
0x77: {  	[hbm4b:s3+s2] =	stream.indirect_vreg.scatter [tilespmem:s8], [sflag:$0x5], $0x80, v4, vm0, $0xb8;
	[tilespmem:$0xC100] =	vst v63  }
0x78: {  	v3 =	vadd.s32 v1, v3  }
0x79: {  	[hbm4b:s4+s2] =	stream.indirect_vreg.scatter [tilespmem:s13], [sflag:$0x5], $0x80, v4, vm0, $0xb8;
	[tilespmem:$0xC100] =	vst v63  }
0x7a: {  	_ = 	snop  }
0x7b: {  	[hbm4b:s5+s2] =	stream.indirect_vreg.scatter [tilespmem:s14], [sflag:$0x5], $0x80, v4, vm0, $0xb8;
	[tilespmem:$0xC100] =	vst v63  }
0x7c: {  	_ = 	snop  }
0x7d: {  	[hbm4b:s3+s2] =	stream.indirect_vreg.scatter [tilespmem:s15], [sflag:$0x5], $0x80, v3, vm0, $0xb8;
	[tilespmem:$0xC100] =	vst v63  }
0x7e: {  	_ = 	snop  }
0x7f: {  	[hbm4b:s4+s2] =	stream.indirect_vreg.scatter [tilespmem:s16], [sflag:$0x5], $0x80, v3, vm0, $0xb8;
	[tilespmem:$0xC100] =	vst v63  }
0x80: {  	_ = 	snop  }
0x81: {  	[hbm4b:s5+s2] =	stream.indirect_vreg.scatter [tilespmem:s17], [sflag:$0x5], $0x80, v3, vm0, $0xb8;
	[tilespmem:$0xC100] =	vst v63  }
0x82: {  	v3 =	vld [tilespmem:$0x90];
	_ =	sdelay $0x4  }
0x83: {  	v61 =	vshrl.u32 v3, $0x3  }
0x84: {  	v4 =	vmul.u32 $0x30, v61  }
0x85: {  	v3 =	vand.u32 $0x7, v3  }
0x86: {  	v3 =	vor.u32 v3, v4  }
0x87: {  	v4 =	vperm.xlane v3, v0;
	_ =	sdelay $0x1  }
0x88: {  	v4 =	vadd.s32 v1, v4;
	_ =	sdelay $0x3  }
0x89: {  	v3 =	vperm.xlane v3, v2  }
0x8a: {  	[hbm4b:s3+s2] =	stream.indirect_vreg.scatter [tilespmem:s18], [sflag:$0x5], $0x80, v4, vm0, $0xb8;
	[tilespmem:$0xC100] =	vst v63  }
0x8b: {  	v3 =	vadd.s32 v1, v3  }
0x8c: {  	[hbm4b:s4+s2] =	stream.indirect_vreg.scatter [tilespmem:s19], [sflag:$0x5], $0x80, v4, vm0, $0xb8;
	[tilespmem:$0xC100] =	vst v63  }
0x8d: {  	_ = 	snop  }
0x8e: {  	[hbm4b:s5+s2] =	stream.indirect_vreg.scatter [tilespmem:s20], [sflag:$0x5], $0x80, v4, vm0, $0xb8;
	[tilespmem:$0xC100] =	vst v63  }
0x8f: {  	_ = 	snop  }
0x90: {  	[hbm4b:s3+s2] =	stream.indirect_vreg.scatter [tilespmem:s21], [sflag:$0x5], $0x80, v3, vm0, $0xb8;
	[tilespmem:$0xC100] =	vst v63  }
0x91: {  	_ = 	snop  }
0x92: {  	[hbm4b:s4+s2] =	stream.indirect_vreg.scatter [tilespmem:s22], [sflag:$0x5], $0x80, v3, vm0, $0xb8;
	[tilespmem:$0xC100] =	vst v63  }
0x93: {  	_ = 	snop  }
0x94: {  	[hbm4b:s5+s2] =	stream.indirect_vreg.scatter [tilespmem:s23], [sflag:$0x5], $0x80, v3, vm0, $0xb8;
	[tilespmem:$0xC100] =	vst v63  }
0x95: {  	v3 =	vld [tilespmem:$0xA0];
	_ =	sdelay $0x4  }
0x96: {  	v62 =	vshrl.u32 v3, $0x3  }
0x97: {  	v4 =	vmul.u32 $0x30, v62  }
0x98: {  	v3 =	vand.u32 $0x7, v3  }
0x99: {  	v3 =	vor.u32 v3, v4  }
0x9a: {  	v4 =	vperm.xlane v3, v0;
	_ =	sdelay $0x1  }
0x9b: {  	v4 =	vadd.s32 v1, v4;
	_ =	sdelay $0x3  }
0x9c: {  	v3 =	vperm.xlane v3, v2  }
0x9d: {  	[hbm4b:s3+s2] =	stream.indirect_vreg.scatter [tilespmem:s24], [sflag:$0x5], $0x80, v4, vm0, $0xb8;
	[tilespmem:$0xC100] =	vst v63  }
0x9e: {  	v3 =	vadd.s32 v1, v3  }
0x9f: {  	[hbm4b:s4+s2] =	stream.indirect_vreg.scatter [tilespmem:s25], [sflag:$0x5], $0x80, v4, vm0, $0xb8;
	[tilespmem:$0xC100] =	vst v63  }
0xa0: {  	_ = 	snop  }
0xa1: {  	[hbm4b:s5+s2] =	stream.indirect_vreg.scatter [tilespmem:s26], [sflag:$0x5], $0x80, v4, vm0, $0xb8;
	[tilespmem:$0xC100] =	vst v63  }
0xa2: {  	_ = 	snop  }
0xa3: {  	[hbm4b:s3+s2] =	stream.indirect_vreg.scatter [tilespmem:s28], [sflag:$0x5], $0x80, v3, vm0, $0xb8;
	[tilespmem:$0xC100] =	vst v63  }
0xa4: {  	_ = 	snop  }
0xa5: {  	[hbm4b:s4+s2] =	stream.indirect_vreg.scatter [tilespmem:s29], [sflag:$0x5], $0x80, v3, vm0, $0xb8;
	[tilespmem:$0xC100] =	vst v63  }
0xa6: {  	_ = 	snop  }
0xa7: {  	[hbm4b:s5+s2] =	stream.indirect_vreg.scatter [tilespmem:s30], [sflag:$0x5], $0x80, v3, vm0, $0xb8;
	[tilespmem:$0xC100] =	vst v63  }
0xa8: {  	v3 =	vld [tilespmem:$0xB0];
	_ =	sdelay $0x4  }
0xa9: {  	v63 =	vshrl.u32 v3, $0x3  }
0xaa: {  	v4 =	vmul.u32 $0x30, v63  }
0xab: {  	v3 =	vand.u32 $0x7, v3  }
0xac: {  	v3 =	vor.u32 v3, v4  }
0xad: {  	v4 =	vperm.xlane v3, v0;
	_ =	sdelay $0x1  }
0xae: {  	v4 =	vadd.s32 v1, v4;
	_ =	sdelay $0x3  }
0xaf: {  	v3 =	vperm.xlane v3, v2  }
0xb0: {  	[hbm4b:s3+s2] =	stream.indirect_vreg.scatter [tilespmem:s31], [sflag:$0x5], $0x80, v4, vm0, $0xb8;
	[tilespmem:$0xC100] =	vst v63  }
0xb1: {  	v3 =	vadd.s32 v1, v3  }
0xb2: {  	[hbm4b:s4+s2] =	stream.indirect_vreg.scatter [tilespmem:s1], [sflag:$0x5], $0x80, v4, vm0, $0xb8;
	[tilespmem:$0xC100] =	vst v63  }
0xb3: {  	_ = 	snop  }
0xb4: {  	[hbm4b:s5+s2] =	stream.indirect_vreg.scatter [tilespmem:s0], [sflag:$0x5], $0x80, v4, vm0, $0xb8;
	[tilespmem:$0xC100] =	vst v63  }
0xb5: {  	_ = 	snop  }
0xb6: {  	[hbm4b:s3+s2] =	stream.indirect_vreg.scatter [tilespmem:s7], [sflag:$0x5], $0x80, v3, vm0, $0xb8;
	[tilespmem:$0xC100] =	vst v63  }
0xb7: {  	_ = 	snop  }
0xb8: {  	[hbm4b:s4+s2] =	stream.indirect_vreg.scatter [tilespmem:s9], [sflag:$0x5], $0x80, v3, vm0, $0xb8;
	[tilespmem:$0xC100] =	vst v63  }
0xb9: {  	s15 =	simm.s32 $0x4  }
0xba: {  	[hbm4b:s5+s2] =	stream.indirect_vreg.scatter [tilespmem:s10], [sflag:$0x5], $0x80, v3, vm0, $0xb8;
	[tilespmem:$0xC100] =	vst v63  }
0xbb: {  	p0 =	sne.s32 s6, $0x1;
	_ =	swait.ge [sflag:s15], $0xC000  }
.Ltmp0:
0xbc: {  	[sflag:s15] =	ssyncset.done $0x0;
	(pc) =	sbr.rel @p0 .LBB2_1-.Ltmp0, $4  }
0xbd: {  	[sflag:s15] =	ssyncadd.s32 $0xFFFF4000  }
0xbe: {  	_ =	swait.ge [sflag:s12], $0xC000  }
0xbf: {  	[sflag:s12] =	ssyncset.done $0x0  }
0xc0: {  	s6 =	sadd.s32 $0xFFFFFFFF, s6;
	[sflag:s12] =	ssyncadd.s32 $0xFFFF4000  }
0xc1: {  	_ =	sfence.sel $0x180000  }
0xc2: {  	[bflag:$0x0] =	sbarrier.arrive $0xFFFF  }
0xc3: {  	_ =	strace $0x90000047  }
0xc4: {  	s0 =	stileid.u32;
	[bflag:$0x2] =	sbarrier.arrive $0xFFFF  }
0xc5: {  	p0 =	sne.s32 s0, $0x0;
	s0 =	rddreg [dreg:$0x1]  }
0xc6: {  	s0 =	sadd.s32 @!p0 $0x100000, s0  }
0xc7: {  	[sflag:s0] =	ssyncadd.tile.s32 @!p0 $0x1;
	_ =	shalt  }
.Lfunc_end2:
_tile_overlayer_lowered:
.L_overlay_start_2:
0xc8: {  	(tag) =	ssettag $0x2  }
0xc9: {  	s0 =	rddreg [dreg:$0x0];
	s2 =	stileid.u32  }
0xca: {  	s1 =	rddreg [dreg:$0x1];
	p0 =	sne.s32 s2, $0x0  }
0xcb: {  	s3 =	rddreg [dreg:$0x2];
	[bflag:$0x3] =	sbarrier.arrive $0xFFFF;
	s2 =	simm.s32 @!p0 $0x1C06  }
0xcc: {  	[timem:s3], [sflag:s2] =	dma.local @!p0 [hbm:s0], s1  }
0xcd: {  	s0 =	simm.s32 @!p0 $0x6  }
0xce: {  	_ =	swait.ge @!p0 [sflag:s0], s1  }
0xcf: {  	s1 =	ssub.s32 @!p0 $0x0, s1;
	[sflag:s0] =	ssyncset.done @!p0 $0x0  }
0xd0: {  	[sflag:s0] =	ssyncadd.s32 @!p0 s1  }
0xd1: {  	[bflag:$0x3] =	sbarrier.arrive $0xFFFF  }
0xd2: {  	_ =	shalt  }

// kernel: kernel.13.cloned.1.call-start
scs
__scs_entry_jumppad:
0x0: {  	(pc) =	sbr.rel $0x88, $3  }
0x1: {  	(tag) =	ssettag $0x0;
	lr =	simm.s32 $0x1  }
0x2: {  	[smem:$0x3F96] =	sst lr;
	_ =	strace $0xD0000000  }
0x3: {  	_ = 	snop  }
0x4: {  	_ = 	snop  }
0x5: {  	_ = 	snop  }
0x6: {  	_ = 	snop  }
0x7: {  	_ = 	snop  }
__scs_overlays_trampoline_lowered:
0x8: {  	[smem:$0x3FA5] =	sst s0  }
0x9: {  	[smem:$0x3FA6] =	sst s1  }
0xa: {  	[smem:$0x3FA7] =	sst s2  }
0xb: {  	[smem:$0x3FA8] =	sst s3  }
0xc: {  	[smem:$0x3FA9] =	sst s4  }
0xd: {  	[smem:$0x3FAA] =	sst s5  }
0xe: {  	[smem:$0x3FAB] =	sst s6  }
0xf: {  	[smem:$0x3FAC] =	sst s7  }
0x10: {  	[smem:$0x3FAD] =	sst s8  }
0x11: {  	[smem:$0x3FAE] =	sst s9;
	s0 =	simm.s32 @!p0 $0x0  }
0x12: {  	s1 =	sld [smem:$0x3F94];
	s0 =	simm.s32 @p0 $0x1  }
0x13: {  	[smem:$0x3FAF] =	sst s0;
	s0 =	simm.s32 @!p1 $0x0  }
0x14: {  	s2 =	sld [smem:$0x3F93];
	s0 =	simm.s32 @p1 $0x1  }
0x15: {  	[smem:$0x3FB0] =	sst s0;
	s0 =	simm.s32 @!p2 $0x0  }
0x16: {  	s3 =	sld [smem:$0x3FDB];
	s0 =	simm.s32 @p2 $0x1  }
0x17: {  	s4 =	simm.s32 $0x1BF5;
	[smem:$0x3FB2] =	sst s0  }
0x18: {  	s0 =	sld [smem:$0x3F95];
	_ =	swait.ge [sflag:s4], $0x0  }
0x19: {  	s7 =	sld [smem:$0x3F96]  }
0x1a: {  	s8 =	sadd.s32 $0xFFFFE003, lr  }
0x1b: {  	s9 =	sadd.s32 $0xFFFFFEF7, lr;
	s5 =	simm.s32 $0xFFFFFFFF;
	p2 =	slt.u32 s8, $0xFFFFF086  }
0x1c: {  	p1 =	slt.u32 s9, $0xF7A;
	s5 =	simm.s32 @!p2 $0x0  }
0x1d: {  	s5 =	simm.s32 @p1 $0x1;
	p0 =	seq.s32 s7, s2  }
0x1e: {  	s7 =	smul.u32 @!p0 $0xF7A, s2;
	p2 =	seq.s32 @!p0 s5, $0x0  }
0x1f: {  	s9 =	smul.u32 $0xF7A, s1;
	s8 =	simm.s32 @!p0 $0x1BF5;
	p2 =	por !p2, p0  }
0x20: {  	[sflag:s8] =	ssyncset.s32 @!p0 $0xFFFFF086;
	s6 =	sadd.s32 @!p0 s3, s7;
	s7 =	simm.s32 @!p0 $0x108  }
0x21: {  	s3 =	sadd.s32 s3, s9;
	s6 =	sadd.s32 @!p0 $0x88, s6;
	s7 =	simm.s32 @p2 $0x1082  }
0x22: {  	[simem:s7], [sflag:s8] =	dma.local @!p0 [hbm:s6], $0xF7A  }
0x23: {  	s9 =	sor.u32 $0xD0000000, s2;
	s6 =	simm.s32 $0x108;
	_ =	swait.ge @!p0 [sflag:s8], $0x0  }
0x24: {  	s3 =	sadd.s32 $0x88, s3;
	s6 =	simm.s32 @!p1 $0x1082;
	[sflag:s4] =	ssyncset.s32 $0xFFFFF086  }
0x25: {  	[simem:s6], [sflag:s4] =	dma.local [hbm:s3], $0xF7A  }
0x26: {  	[smem:$0x3F96] =	sst s1;
	(tag) =	ssettag s2;
	_ =	strace s9  }
0x27: {  	s1 =	sld [smem:$0x3FA6]  }
0x28: {  	s2 =	sld [smem:$0x3FA7]  }
0x29: {  	s4 =	sld [smem:$0x3FA9]  }
0x2a: {  	p0 =	seq.s32 s5, $0x0;
	s5 =	sld [smem:$0x3FAA]  }
0x2b: {  	s6 =	sld [smem:$0x3FAB]  }
0x2c: {  	s7 =	sld [smem:$0x3FAC]  }
0x2d: {  	s3 =	simm.s32 $0x108;
	s8 =	sld [smem:$0x3FAD]  }
0x2e: {  	s3 =	simm.s32 @!p0 $0x1082;
	s9 =	sld [smem:$0x3FAE]  }
0x2f: {  	lr =	sadd.s32 s0, s3;
	s0 =	sld [smem:$0x3FA5]  }
0x30: {  	s3 =	sld [smem:$0x3FA8]  }
0x31: {  	[smem:$0x3FB1] =	sst s10  }
0x32: {  	s10 =	sld [smem:$0x3FAF];
	_ =	sdelay $0x3  }
0x33: {  	p0 =	seq.s32 s10, $0x1;
	s10 =	sld [smem:$0x3FB1];
	_ =	sdelay $0x3  }
0x34: {  	[smem:$0x3FB1] =	sst s10  }
0x35: {  	s10 =	sld [smem:$0x3FB0];
	_ =	sdelay $0x3  }
0x36: {  	p1 =	seq.s32 s10, $0x1;
	s10 =	sld [smem:$0x3FB1];
	_ =	sdelay $0x3  }
0x37: {  	[smem:$0x3FB1] =	sst s10  }
0x38: {  	s10 =	sld [smem:$0x3FB2]  }
0x39: {  	_ = 	snop;
	(pc) =	sbr.ind lr, $3  }
0x3a: {  	_ = 	snop  }
0x3b: {  	_ = 	snop  }
0x3c: {  	p2 =	seq.s32 s10, $0x1;
	s10 =	sld [smem:$0x3FB1]  }
0x3d: {  	_ =	shalt  }
0x3e: {  	_ =	shalt  }
0x3f: {  	_ =	shalt  }
0x40: {  	_ =	shalt  }
0x41: {  	_ =	shalt  }
0x42: {  	_ =	shalt  }
0x43: {  	_ =	shalt  }
0x44: {  	_ =	shalt  }
0x45: {  	_ =	shalt  }
0x46: {  	_ =	shalt  }
0x47: {  	_ =	shalt  }
0x48: {  	_ =	shalt  }
0x49: {  	_ =	shalt  }
0x4a: {  	_ =	shalt  }
0x4b: {  	_ =	shalt  }
0x4c: {  	_ =	shalt  }
0x4d: {  	_ =	shalt  }
0x4e: {  	_ =	shalt  }
0x4f: {  	_ =	shalt  }
0x50: {  	_ =	shalt  }
0x51: {  	_ =	shalt  }
0x52: {  	_ =	shalt  }
0x53: {  	_ =	shalt  }
0x54: {  	_ =	shalt  }
0x55: {  	_ =	shalt  }
0x56: {  	_ =	shalt  }
0x57: {  	_ =	shalt  }
0x58: {  	_ =	shalt  }
0x59: {  	_ =	shalt  }
0x5a: {  	_ =	shalt  }
0x5b: {  	_ =	shalt  }
0x5c: {  	_ =	shalt  }
0x5d: {  	_ =	shalt  }
0x5e: {  	_ =	shalt  }
0x5f: {  	_ =	shalt  }
0x60: {  	_ =	shalt  }
0x61: {  	_ =	shalt  }
0x62: {  	_ =	shalt  }
0x63: {  	_ =	shalt  }
0x64: {  	_ =	shalt  }
0x65: {  	_ =	shalt  }
0x66: {  	_ =	shalt  }
0x67: {  	_ =	shalt  }
0x68: {  	_ =	shalt  }
0x69: {  	_ =	shalt  }
0x6a: {  	_ =	shalt  }
0x6b: {  	_ =	shalt  }
0x6c: {  	_ =	shalt  }
0x6d: {  	_ =	shalt  }
0x6e: {  	_ =	shalt  }
0x6f: {  	_ =	shalt  }
0x70: {  	_ =	shalt  }
0x71: {  	_ =	shalt  }
0x72: {  	_ =	shalt  }
0x73: {  	_ =	shalt  }
0x74: {  	_ =	shalt  }
0x75: {  	_ =	shalt  }
0x76: {  	_ =	shalt  }
0x77: {  	_ =	shalt  }
0x78: {  	_ =	shalt  }
0x79: {  	_ =	shalt  }
0x7a: {  	_ =	shalt  }
0x7b: {  	_ =	shalt  }
0x7c: {  	_ =	shalt  }
0x7d: {  	_ =	shalt  }
0x7e: {  	_ =	shalt  }
0x7f: {  	_ =	shalt  }
0x80: {  	_ =	shalt  }
0x81: {  	_ =	shalt  }
0x82: {  	_ =	shalt  }
0x83: {  	_ =	shalt  }
0x84: {  	_ =	shalt  }
0x85: {  	_ =	shalt  }
0x86: {  	_ =	shalt  }
0x87: {  	_ =	shalt  }
.Lfunc_end0:
.L_simem_size_0:
called_computation.1_lowered:
.L_overlay_start_0:
0x88: {  	s2 =	sld [smem:$0x3FD9]  }
0x89: {  	s3 =	sld [smem:$0x3FFE];
	_ =	sdelay $0x1  }
0x8a: {  	s1 =	srdreg.scid  }
0x8b: {  	s0 =	sand.u32 $0x1, s1  }
0x8c: {  	s16 =	sshll.u32 s0, $0xA;
	s2 =	sadd.s32 s3, s2  }
0x8d: {  	s2 =	sadd.s32 s2, s16  }
0x8e: {  	[smem:$0x3FBD] =	sst s2  }
0x8f: {  	_ = 	snop  }
0x90: {  	(tm) =	ssettm $0x1  }
0x91: {  	s17 =	sld [smem:$0x3FFB];
	_ =	sdelay $0x3  }
0x92: {  	_ =	strace s17  }
0x93: {  	s2 =	sld [smem:$0x3FFC];
	_ =	sdelay $0x3  }
0x94: {  	_ =	strace s2  }
0x95: {  	s2 =	sld [smem:$0x3FFD];
	_ =	sdelay $0x3  }
0x96: {  	_ =	strace s2  }
0x97: {  	_ =	strace $0x8FFFFFFF  }
0x98: {  	s18 =	sld [smem:$0x3FDB];
	_ =	sdelay $0x1  }
0x99: {  	s19 =	simm.s32 $_scs_section_size  }
0x9a: {  	s4 =	simm.s32 $_size__tile_overlayer_lowered;
	s5 =	simm.s32 $_tile_overlayer_lowered  }
0x9b: {  	s22 =	simm.s32 $0x1BFF;
	s21 =	sshll.u32 s5, $0x1;
	s2 =	sadd.s32 s19, s18  }
0x9c: {  	s6 =	simm.s32 $0x0;
	s20 =	sshll.u32 s4, $0x1;
	s4 =	sadd.s32 s21, s2  }
0x9d: {  	[timem:s6], [sflag:s22] =	dma.local [hbm:s4], s20  }
0x9e: {  	_ =	swait.ge [sflag:s22], s20  }
0x9f: {  	s3 =	ssub.s32 $0x0, s20;
	[sflag:s22] =	ssyncset.done $0x0  }
0xa0: {  	[sflag:s22] =	ssyncadd.s32 s3;
	_ =	sdelay $0x1  }
0xa1: {  	s23 =	simm.s32 $0x1B8B  }
0xa2: {  	_ =	swait.ge [sflag:s23], $0x1  }
0xa3: {  	[sflag:s23] =	ssyncset.done $0x0  }
0xa4: {  	s25 =	simm.s32 $0x1B8E;
	s24 =	sld [smem:$0x3FFE];
	[sflag:s23] =	ssyncadd.s32 $0xFFFFFFFF  }
0xa5: {  	s26 =	simm.s32 $execute0_lowered;
	[smem:$0x3FD2] =	sst s25  }
0xa6: {  	s4 =	sshll.u32 s26, $0x1;
	_ =	strace $0x80000049;
	[dreg:$0x1] =	wrdreg $0xFFFFFFFF  }
0xa7: {  	s28 =	simm.s32 $_size_execute0_lowered;
	s2 =	sadd.s32 s2, s4;
	[dreg:$0x0] =	wrdreg $0x0  }
0xa8: {  	s4 =	sshll.u32 s28, $0x1;
	[dreg:$0x2] =	wrdreg s2  }
0xa9: {  	[dreg:$0x3] =	wrdreg s4  }
0xaa: {  	[dreg:$0x4] =	wrdreg $0xC0  }
0xab: {  	_ =	task [dreg:s6], $0x5FFFF  }
0xac: {  	[dreg:$0x1] =	wrdreg $0xFFFFFFFF  }
0xad: {  	[dreg:$0x0] =	wrdreg $0x60  }
0xae: {  	[dreg:$0x2] =	wrdreg s24  }
0xaf: {  	[dreg:$0x3] =	wrdreg $0x9  }
0xb0: {  	_ =	task.clear_ibuf [dreg:s6], $0x4FFFF;
	_ =	strace $0x90000049  }
0xb1: {  	s29 =	simm.s32 $0x9;
	_ =	strace $0x8000004B  }
0xb2: {  	_ =	swait.ge [sflag:s29], $0x1  }
0xb3: {  	[sflag:s29] =	ssyncadd.s32 $0xFFFFFFFF  }
0xb4: {  	_ =	strace $0x9000004B  }
0xb5: {  	_ =	sfence  }
0xb6: {  	s30 =	sld [smem:$0x0];
	_ =	sdelay $0x2  }
0xb7: {  	s31 =	sshll.u32 s1, $0xD;
	s1 =	sshrl.u32 s1, $0x2  }
0xb8: {  	s3 =	sand.u32 $0x4000, s31;
	s1 =	sadd.s32 s1, s30  }
0xb9: {  	s0 =	sor.u32 s3, s0;
	s1 =	sshll.u32 s1, $0x11  }
0xba: {  	s0 =	sor.u32 s1, s0  }
0xbb: {  	s0 =	sadd.s32 $0x8F2B, s0  }
0xbc: {  	[sflag:s0] =	ssyncadd.remote.s32 $0x1  }
0xbd: {  	_ =	sfence.sel $0xFFFF  }
0xbe: {  	[dreg:$0x0] =	wrdreg $0xFFFFFFFF;
	(pc) =	sbr.abs _section_cstart, $3  }
0xbf: {  	[dreg:$0x1] =	wrdreg $0xFFFFFFFF  }
0xc0: {  	_ =	task.clear_ibuf [dreg:s6], $0x2FFFF;
	_ =	strace $0x9FFFFFFF  }
0xc1: {  	(tm) =	ssettm $0x7FFFFFFF  }
tec
execute0_lowered:
.L_overlay_start_1:
0x0: {  	(tag) =	ssettag $0x1  }
0x1: {  	s1 =	srdreg.scid  }
0x2: {  	s2 =	simm.s32 $0x0;
	s4 =	sand.u32 $0x1, s1;
	s1 =	rddreg [dreg:$0x0]  }
0x3: {  	s21 =	simm.s32 $0x80;
	[smem:$0x7FF] =	sst s2  }
0x4: {  	s22 =	simm.s32 $0x900;
	_ =	strace $0x8000004A;
	[dreg:$0x6] =	wrdreg s21  }
0x5: {  	s23 =	simm.s32 $0x1100;
	[dreg:$0x7] =	wrdreg s22  }
0x6: {  	s24 =	simm.s32 $0x1900;
	[dreg:$0x8] =	wrdreg s23  }
0x7: {  	s25 =	simm.s32 $0x2100;
	[dreg:$0x9] =	wrdreg s24  }
0x8: {  	s0 =	stileid.u32;
	s26 =	simm.s32 $0x2900;
	[dreg:$0xa] =	wrdreg s25  }
0x9: {  	s3 =	sshll.u32 s0, $0x4;
	s0 =	simm.s32 $0x3100;
	[dreg:$0xb] =	wrdreg s26  }
0xa: {  	s7 =	simm.s32 $0x4900;
	[dreg:$0xc] =	wrdreg s0  }
0xb: {  	s8 =	simm.s32 $0x5100;
	[dreg:$0xf] =	wrdreg s7  }
0xc: {  	s9 =	simm.s32 $0x5900;
	[dreg:$0x10] =	wrdreg s8  }
0xd: {  	s10 =	simm.s32 $0x6100;
	[dreg:$0x11] =	wrdreg s9  }
0xe: {  	s11 =	simm.s32 $0x6900;
	[dreg:$0x12] =	wrdreg s10  }
0xf: {  	s12 =	simm.s32 $0x7100;
	[dreg:$0x13] =	wrdreg s11  }
0x10: {  	s13 =	simm.s32 $0x7900;
	[dreg:$0x14] =	wrdreg s12  }
0x11: {  	s14 =	simm.s32 $0x8100;
	[dreg:$0x15] =	wrdreg s13  }
0x12: {  	s15 =	simm.s32 $0x8900;
	s16 =	simm.s32 $0x9100;
	[dreg:$0x16] =	wrdreg s14  }
0x13: {  	s17 =	simm.s32 $0x9900;
	s18 =	simm.s32 $0xA100;
	[dreg:$0x17] =	wrdreg s15  }
0x14: {  	s19 =	simm.s32 $0xA900;
	s28 =	simm.s32 $0x17100;
	[dreg:$0x18] =	wrdreg s16  }
0x15: {  	s29 =	simm.s32 $0x17900;
	s30 =	simm.s32 $0x3;
	[dreg:$0x19] =	wrdreg s17  }
0x16: {  	s31 =	simm.s32 $0x5;
	s5 =	sshll.u32 s4, $0x3;
	[dreg:$0x1a] =	wrdreg s18  }
0x17: {  	s4 =	ssub.s32 $0x2, s4;
	[dreg:$0x1b] =	wrdreg s19;
	s21 =	simm.s32 $0xB100  }
0x18: {  	s22 =	simm.s32 $0xB900;
	s7 =	simm.s32 $0xC900;
	s23 =	simm.s32 $0xD100  }
0x19: {  	s24 =	simm.s32 $0xD900;
	s25 =	simm.s32 $0xE100;
	s8 =	simm.s32 $0x100  }
0x1a: {  	s26 =	simm.s32 $0xE900;
	s9 =	simm.s32 $0x2;
	[dreg:$0x1c] =	wrdreg s21  }
0x1b: {  	s10 =	simm.s32 $0xC100;
	s13 =	simm.s32 $0x10100;
	[dreg:$0x1d] =	wrdreg s22  }
0x1c: {  	s14 =	simm.s32 $0x10900;
	s15 =	simm.s32 $0x11100;
	[dreg:$0x1e] =	wrdreg s7  }
0x1d: {  	s16 =	simm.s32 $0x11900;
	s17 =	simm.s32 $0x12100;
	[dreg:$0x1f] =	wrdreg s23  }
0x1e: {  	s18 =	simm.s32 $0x12900;
	s19 =	simm.s32 $0x13100;
	[smem:$0x7FB] =	sst s24  }
0x1f: {  	s3 =	sor.u32 s5, s3;
	s7 =	simm.s32 $0x1;
	[smem:$0x7FC] =	sst s25  }
0x20: {  	[smem:$0x7FD] =	sst s26;
	s21 =	simm.s32 $0x14100;
	s5 =	sadd.s32 s3, s1  }
0x21: {  	s22 =	simm.s32 $0x14900;
	s23 =	simm.s32 $0x15100;
	s6 =	sadd.s32 $0x3A000, s5  }
0x22: {  	s3 =	smul.u32 $0x300, s3;
	s5 =	sadd.s32 $0x39E00, s5;
	[dreg:$0x2] =	wrdreg s6  }
0x23: {  	s24 =	simm.s32 $0x15900;
	[dreg:$0x3] =	wrdreg s5;
	s5 =	simm.s32 $0x3900  }
0x24: {  	s3 =	sadd.s32 s3, s1;
	s6 =	simm.s32 $0x4100;
	[dreg:$0xd] =	wrdreg s5  }
0x25: {  	s25 =	simm.s32 $0x16100;
	s20 =	sadd.s32 $0x1A00, s3;
	[dreg:$0xe] =	wrdreg s6  }
0x26: {  	s26 =	simm.s32 $0x16900;
	s3 =	sadd.s32 $0x3A200, s3;
	[dreg:$0x4] =	wrdreg s20  }
0x27: {  	v2 =	vlaneseq.u32;
	s5 =	sadd.s32 $0x106400, s1;
	[dreg:$0x5] =	wrdreg s3;
	s20 =	sshrl.u32 s4, $0x1  }
0x28: {  	vm0 =	vmmov $0xffff;
	v1 =	vshrl.u32 v2, $0x3;
	s3 =	sadd.s32 $0x106200, s1;
	s6 =	ssub.s32 s4, s20;
	s4 =	sadd.s32 $0x106300, s1  }
0x29: {  	v0 =	vand.u32 $0x7, v2;
	v2 =	vor.u32 $0x8, v2;
	v1 =	vmul.u32 $0x8, v1;
	s20 =	simm.s32 $0x13900;
	s1 =	simm.s32 $0x4;
	s6 =	smax.u32 s6, $0x1  }
.LBB2_1:
0x2a: {  	s0 =	rddreg [dreg:$0x2]  }
0x2b: {  	s11 =	rddreg [dreg:$0x3]  }
0x2c: {  	[tilespmem:s2], [sflag:$0x1] =	stream.linear.gather [hbm4b:s0+s2], $0x40, $0x38;
	[tilespmem:$0x18100] =	vst v63  }
0x2d: {  	s12 =	rddreg [dreg:$0x6]  }
0x2e: {  	[tilespmem:s12], [sflag:$0x2] =	stream.linear.gather [hbm4b:s11+s2], $0x40, $0x38;
	[tilespmem:$0x18100] =	vst v63  }
0x2f: {  	_ =	swait.ge [sflag:s7], $0x40  }
0x30: {  	[sflag:s7] =	ssyncset.done $0x0  }
0x31: {  	[sflag:s7] =	ssyncadd.s32 $0xFFFFFFC0  }
0x32: {  	v3 =	vld [tilespmem:$0x0];
	_ =	sdelay $0x4  }
0x33: {  	v4 =	vshrl.u32 v3, $0x3  }
0x34: {  	v4 =	vmul.u32 $0x30, v4  }
0x35: {  	v3 =	vand.u32 $0x7, v3  }
0x36: {  	v3 =	vor.u32 v3, v4  }
0x37: {  	v4 =	vperm.xlane v3, v0;
	_ =	sdelay $0x1  }
0x38: {  	v4 =	vadd.s32 v1, v4;
	_ =	sdelay $0x3  }
0x39: {  	v3 =	vperm.xlane v3, v2  }
0x3a: {  	[tilespmem:s8], [sflag:$0x3] =	stream.indirect_vreg.gather [hbm4b:s3+s2], $0x80, v4, vm0, $0xb8;
	[tilespmem:$0x18100] =	vst v63  }
0x3b: {  	s12 =	rddreg [dreg:$0x7];
	v3 =	vadd.s32 v1, v3  }
0x3c: {  	[tilespmem:s12], [sflag:$0x3] =	stream.indirect_vreg.gather [hbm4b:s4+s2], $0x80, v4, vm0, $0xb8;
	[tilespmem:$0x18100] =	vst v63  }
0x3d: {  	s11 =	rddreg [dreg:$0x8]  }
0x3e: {  	[tilespmem:s11], [sflag:$0x3] =	stream.indirect_vreg.gather [hbm4b:s5+s2], $0x80, v4, vm0, $0xb8;
	[tilespmem:$0x18100] =	vst v63  }
0x3f: {  	s12 =	rddreg [dreg:$0x9]  }
0x40: {  	[tilespmem:s12], [sflag:$0x3] =	stream.indirect_vreg.gather [hbm4b:s3+s2], $0x80, v3, vm0, $0xb8;
	[tilespmem:$0x18100] =	vst v63  }
0x41: {  	s11 =	rddreg [dreg:$0xa]  }
0x42: {  	[tilespmem:s11], [sflag:$0x3] =	stream.indirect_vreg.gather [hbm4b:s4+s2], $0x80, v3, vm0, $0xb8;
	[tilespmem:$0x18100] =	vst v63  }
0x43: {  	s12 =	rddreg [dreg:$0xb]  }
0x44: {  	[tilespmem:s12], [sflag:$0x3] =	stream.indirect_vreg.gather [hbm4b:s5+s2], $0x80, v3, vm0, $0xb8;
	[tilespmem:$0x18100] =	vst v63  }
0x45: {  	v3 =	vld [tilespmem:$0x10];
	_ =	sdelay $0x4  }
0x46: {  	v57 =	vshrl.u32 v3, $0x3  }
0x47: {  	v4 =	vmul.u32 $0x30, v57  }
0x48: {  	v3 =	vand.u32 $0x7, v3  }
0x49: {  	v3 =	vor.u32 v3, v4  }
0x4a: {  	v4 =	vperm.xlane v3, v0;
	_ =	sdelay $0x1  }
0x4b: {  	v4 =	vadd.s32 v1, v4;
	_ =	sdelay $0x3  }
0x4c: {  	s11 =	rddreg [dreg:$0xc];
	v3 =	vperm.xlane v3, v2  }
0x4d: {  	[tilespmem:s11], [sflag:$0x3] =	stream.indirect_vreg.gather [hbm4b:s3+s2], $0x80, v4, vm0, $0xb8;
	[tilespmem:$0x18100] =	vst v63  }
0x4e: {  	s12 =	rddreg [dreg:$0xd];
	v3 =	vadd.s32 v1, v3  }
0x4f: {  	[tilespmem:s12], [sflag:$0x3] =	stream.indirect_vreg.gather [hbm4b:s4+s2], $0x80, v4, vm0, $0xb8;
	[tilespmem:$0x18100] =	vst v63  }
0x50: {  	s0 =	rddreg [dreg:$0xe]  }
0x51: {  	[tilespmem:s0], [sflag:$0x3] =	stream.indirect_vreg.gather [hbm4b:s5+s2], $0x80, v4, vm0, $0xb8;
	[tilespmem:$0x18100] =	vst v63  }
0x52: {  	s12 =	rddreg [dreg:$0xf]  }
0x53: {  	[tilespmem:s12], [sflag:$0x3] =	stream.indirect_vreg.gather [hbm4b:s3+s2], $0x80, v3, vm0, $0xb8;
	[tilespmem:$0x18100] =	vst v63  }
0x54: {  	s0 =	rddreg [dreg:$0x10]  }
0x55: {  	[tilespmem:s0], [sflag:$0x3] =	stream.indirect_vreg.gather [hbm4b:s4+s2], $0x80, v3, vm0, $0xb8;
	[tilespmem:$0x18100] =	vst v63  }
0x56: {  	s12 =	rddreg [dreg:$0x11]  }
0x57: {  	[tilespmem:s12], [sflag:$0x3] =	stream.indirect_vreg.gather [hbm4b:s5+s2], $0x80, v3, vm0, $0xb8;
	[tilespmem:$0x18100] =	vst v63  }
0x58: {  	v3 =	vld [tilespmem:$0x20];
	_ =	sdelay $0x4  }
0x59: {  	v58 =	vshrl.u32 v3, $0x3  }
0x5a: {  	v4 =	vmul.u32 $0x30, v58  }
0x5b: {  	v3 =	vand.u32 $0x7, v3  }
0x5c: {  	v3 =	vor.u32 v3, v4  }
0x5d: {  	v4 =	vperm.xlane v3, v0;
	_ =	sdelay $0x1  }
0x5e: {  	v4 =	vadd.s32 v1, v4;
	_ =	sdelay $0x3  }
0x5f: {  	s11 =	rddreg [dreg:$0x12];
	v3 =	vperm.xlane v3, v2  }
0x60: {  	[tilespmem:s11], [sflag:$0x3] =	stream.indirect_vreg.gather [hbm4b:s3+s2], $0x80, v4, vm0, $0xb8;
	[tilespmem:$0x18100] =	vst v63  }
0x61: {  	s12 =	rddreg [dreg:$0x13];
	v3 =	vadd.s32 v1, v3  }
0x62: {  	[tilespmem:s12], [sflag:$0x3] =	stream.indirect_vreg.gather [hbm4b:s4+s2], $0x80, v4, vm0, $0xb8;
	[tilespmem:$0x18100] =	vst v63  }
0x63: {  	s0 =	rddreg [dreg:$0x14]  }
0x64: {  	[tilespmem:s0], [sflag:$0x3] =	stream.indirect_vreg.gather [hbm4b:s5+s2], $0x80, v4, vm0, $0xb8;
	[tilespmem:$0x18100] =	vst v63  }
0x65: {  	s12 =	rddreg [dreg:$0x15]  }
0x66: {  	[tilespmem:s12], [sflag:$0x3] =	stream.indirect_vreg.gather [hbm4b:s3+s2], $0x80, v3, vm0, $0xb8;
	[tilespmem:$0x18100] =	vst v63  }
0x67: {  	s0 =	rddreg [dreg:$0x16]  }
0x68: {  	[tilespmem:s0], [sflag:$0x3] =	stream.indirect_vreg.gather [hbm4b:s4+s2], $0x80, v3, vm0, $0xb8;
	[tilespmem:$0x18100] =	vst v63  }
0x69: {  	s12 =	rddreg [dreg:$0x17]  }
0x6a: {  	[tilespmem:s12], [sflag:$0x3] =	stream.indirect_vreg.gather [hbm4b:s5+s2], $0x80, v3, vm0, $0xb8;
	[tilespmem:$0x18100] =	vst v63  }
0x6b: {  	v3 =	vld [tilespmem:$0x30];
	_ =	sdelay $0x4  }
0x6c: {  	v59 =	vshrl.u32 v3, $0x3  }
0x6d: {  	v4 =	vmul.u32 $0x30, v59  }
0x6e: {  	v3 =	vand.u32 $0x7, v3  }
0x6f: {  	v3 =	vor.u32 v3, v4  }
0x70: {  	v4 =	vperm.xlane v3, v0;
	_ =	sdelay $0x1  }
0x71: {  	v4 =	vadd.s32 v1, v4;
	_ =	sdelay $0x3  }
0x72: {  	s11 =	rddreg [dreg:$0x18];
	v3 =	vperm.xlane v3, v2  }
0x73: {  	[tilespmem:s11], [sflag:$0x3] =	stream.indirect_vreg.gather [hbm4b:s3+s2], $0x80, v4, vm0, $0xb8;
	[tilespmem:$0x18100] =	vst v63  }
0x74: {  	s12 =	rddreg [dreg:$0x19];
	v3 =	vadd.s32 v1, v3  }
0x75: {  	[tilespmem:s12], [sflag:$0x3] =	stream.indirect_vreg.gather [hbm4b:s4+s2], $0x80, v4, vm0, $0xb8;
	[tilespmem:$0x18100] =	vst v63  }
0x76: {  	s0 =	rddreg [dreg:$0x1a]  }
0x77: {  	[tilespmem:s0], [sflag:$0x3] =	stream.indirect_vreg.gather [hbm4b:s5+s2], $0x80, v4, vm0, $0xb8;
	[tilespmem:$0x18100] =	vst v63  }
0x78: {  	s12 =	rddreg [dreg:$0x1b]  }
0x79: {  	[tilespmem:s12], [sflag:$0x3] =	stream.indirect_vreg.gather [hbm4b:s3+s2], $0x80, v3, vm0, $0xb8;
	[tilespmem:$0x18100] =	vst v63  }
0x7a: {  	s0 =	rddreg [dreg:$0x1c]  }
0x7b: {  	[tilespmem:s0], [sflag:$0x3] =	stream.indirect_vreg.gather [hbm4b:s4+s2], $0x80, v3, vm0, $0xb8;
	[tilespmem:$0x18100] =	vst v63  }
0x7c: {  	s12 =	rddreg [dreg:$0x1d]  }
0x7d: {  	[tilespmem:s12], [sflag:$0x3] =	stream.indirect_vreg.gather [hbm4b:s5+s2], $0x80, v3, vm0, $0xb8;
	[tilespmem:$0x18100] =	vst v63  }
0x7e: {  	_ =	swait.ge [sflag:s9], $0x40  }
0x7f: {  	[sflag:s9] =	ssyncset.done $0x0  }
0x80: {  	[sflag:s9] =	ssyncadd.s32 $0xFFFFFFC0  }
0x81: {  	v3 =	vld [tilespmem:$0x80];
	_ =	sdelay $0x4  }
0x82: {  	v60 =	vshrl.u32 v3, $0x3  }
0x83: {  	v4 =	vmul.u32 $0x30, v60  }
0x84: {  	v3 =	vand.u32 $0x7, v3  }
0x85: {  	v3 =	vor.u32 v3, v4  }
0x86: {  	v4 =	vperm.xlane v3, v0;
	_ =	sdelay $0x1  }
0x87: {  	v4 =	vadd.s32 v1, v4;
	_ =	sdelay $0x3  }
0x88: {  	s12 =	rddreg [dreg:$0x1e];
	v3 =	vperm.xlane v3, v2  }
0x89: {  	[tilespmem:s10], [sflag:$0x4] =	stream.indirect_vreg.gather [hbm4b:s3+s2], $0x80, v4, vm0, $0xb8;
	[tilespmem:$0x18100] =	vst v63  }
0x8a: {  	s11 =	rddreg [dreg:$0x1f];
	v3 =	vadd.s32 v1, v3  }
0x8b: {  	[tilespmem:s12], [sflag:$0x4] =	stream.indirect_vreg.gather [hbm4b:s4+s2], $0x80, v4, vm0, $0xb8;
	[tilespmem:$0x18100] =	vst v63  }
0x8c: {  	s12 =	sld [smem:$0x7FB]  }
0x8d: {  	[tilespmem:s11], [sflag:$0x4] =	stream.indirect_vreg.gather [hbm4b:s5+s2], $0x80, v4, vm0, $0xb8;
	[tilespmem:$0x18100] =	vst v63  }
0x8e: {  	s11 =	sld [smem:$0x7FC]  }
0x8f: {  	[tilespmem:s12], [sflag:$0x4] =	stream.indirect_vreg.gather [hbm4b:s3+s2], $0x80, v3, vm0, $0xb8;
	[tilespmem:$0x18100] =	vst v63  }
0x90: {  	s12 =	sld [smem:$0x7FD]  }
0x91: {  	[tilespmem:s11], [sflag:$0x4] =	stream.indirect_vreg.gather [hbm4b:s4+s2], $0x80, v3, vm0, $0xb8;
	[tilespmem:$0x18100] =	vst v63  }
0x92: {  	_ = 	snop  }
0x93: {  	[tilespmem:s12], [sflag:$0x4] =	stream.indirect_vreg.gather [hbm4b:s5+s2], $0x80, v3, vm0, $0xb8;
	[tilespmem:$0x18100] =	vst v63  }
0x94: {  	v3 =	vld [tilespmem:$0x90];
	_ =	sdelay $0x4  }
0x95: {  	v61 =	vshrl.u32 v3, $0x3  }
0x96: {  	v4 =	vmul.u32 $0x30, v61  }
0x97: {  	v3 =	vand.u32 $0x7, v3  }
0x98: {  	v3 =	vor.u32 v3, v4  }
0x99: {  	v4 =	vperm.xlane v3, v0;
	_ =	sdelay $0x1  }
0x9a: {  	v4 =	vadd.s32 v1, v4;
	_ =	sdelay $0x3  }
0x9b: {  	s11 =	simm.s32 $0xF100;
	v3 =	vperm.xlane v3, v2  }
0x9c: {  	[tilespmem:s11], [sflag:$0x4] =	stream.indirect_vreg.gather [hbm4b:s3+s2], $0x80, v4, vm0, $0xb8;
	[tilespmem:$0x18100] =	vst v63  }
0x9d: {  	s12 =	simm.s32 $0xF900;
	v3 =	vadd.s32 v1, v3  }
0x9e: {  	[tilespmem:s12], [sflag:$0x4] =	stream.indirect_vreg.gather [hbm4b:s4+s2], $0x80, v4, vm0, $0xb8;
	[tilespmem:$0x18100] =	vst v63  }
0x9f: {  	_ = 	snop  }
0xa0: {  	[tilespmem:s13], [sflag:$0x4] =	stream.indirect_vreg.gather [hbm4b:s5+s2], $0x80, v4, vm0, $0xb8;
	[tilespmem:$0x18100] =	vst v63  }
0xa1: {  	_ = 	snop  }
0xa2: {  	[tilespmem:s14], [sflag:$0x4] =	stream.indirect_vreg.gather [hbm4b:s3+s2], $0x80, v3, vm0, $0xb8;
	[tilespmem:$0x18100] =	vst v63  }
0xa3: {  	_ = 	snop  }
0xa4: {  	[tilespmem:s15], [sflag:$0x4] =	stream.indirect_vreg.gather [hbm4b:s4+s2], $0x80, v3, vm0, $0xb8;
	[tilespmem:$0x18100] =	vst v63  }
0xa5: {  	_ = 	snop  }
0xa6: {  	[tilespmem:s16], [sflag:$0x4] =	stream.indirect_vreg.gather [hbm4b:s5+s2], $0x80, v3, vm0, $0xb8;
	[tilespmem:$0x18100] =	vst v63  }
0xa7: {  	v3 =	vld [tilespmem:$0xA0];
	_ =	sdelay $0x4  }
0xa8: {  	v62 =	vshrl.u32 v3, $0x3  }
0xa9: {  	v4 =	vmul.u32 $0x30, v62  }
0xaa: {  	v3 =	vand.u32 $0x7, v3  }
0xab: {  	v3 =	vor.u32 v3, v4  }
0xac: {  	v4 =	vperm.xlane v3, v0;
	_ =	sdelay $0x1  }
0xad: {  	v4 =	vadd.s32 v1, v4;
	_ =	sdelay $0x3  }
0xae: {  	v3 =	vperm.xlane v3, v2  }
0xaf: {  	[tilespmem:s17], [sflag:$0x4] =	stream.indirect_vreg.gather [hbm4b:s3+s2], $0x80, v4, vm0, $0xb8;
	[tilespmem:$0x18100] =	vst v63  }
0xb0: {  	v3 =	vadd.s32 v1, v3  }
0xb1: {  	[tilespmem:s18], [sflag:$0x4] =	stream.indirect_vreg.gather [hbm4b:s4+s2], $0x80, v4, vm0, $0xb8;
	[tilespmem:$0x18100] =	vst v63  }
0xb2: {  	_ = 	snop  }
0xb3: {  	[tilespmem:s19], [sflag:$0x4] =	stream.indirect_vreg.gather [hbm4b:s5+s2], $0x80, v4, vm0, $0xb8;
	[tilespmem:$0x18100] =	vst v63  }
0xb4: {  	_ = 	snop  }
0xb5: {  	[tilespmem:s20], [sflag:$0x4] =	stream.indirect_vreg.gather [hbm4b:s3+s2], $0x80, v3, vm0, $0xb8;
	[tilespmem:$0x18100] =	vst v63  }
0xb6: {  	_ = 	snop  }
0xb7: {  	[tilespmem:s21], [sflag:$0x4] =	stream.indirect_vreg.gather [hbm4b:s4+s2], $0x80, v3, vm0, $0xb8;
	[tilespmem:$0x18100] =	vst v63  }
0xb8: {  	_ = 	snop  }
0xb9: {  	[tilespmem:s22], [sflag:$0x4] =	stream.indirect_vreg.gather [hbm4b:s5+s2], $0x80, v3, vm0, $0xb8;
	[tilespmem:$0x18100] =	vst v63  }
0xba: {  	v3 =	vld [tilespmem:$0xB0];
	_ =	sdelay $0x4  }
0xbb: {  	v63 =	vshrl.u32 v3, $0x3  }
0xbc: {  	v4 =	vmul.u32 $0x30, v63  }
0xbd: {  	v3 =	vand.u32 $0x7, v3  }
0xbe: {  	v3 =	vor.u32 v3, v4  }
0xbf: {  	v4 =	vperm.xlane v3, v0;
	_ =	sdelay $0x1  }
0xc0: {  	v4 =	vadd.s32 v1, v4;
	_ =	sdelay $0x3  }
0xc1: {  	v3 =	vperm.xlane v3, v2  }
0xc2: {  	[tilespmem:s23], [sflag:$0x4] =	stream.indirect_vreg.gather [hbm4b:s3+s2], $0x80, v4, vm0, $0xb8;
	[tilespmem:$0x18100] =	vst v63  }
0xc3: {  	v3 =	vadd.s32 v1, v3  }
0xc4: {  	[tilespmem:s24], [sflag:$0x4] =	stream.indirect_vreg.gather [hbm4b:s4+s2], $0x80, v4, vm0, $0xb8;
	[tilespmem:$0x18100] =	vst v63  }
0xc5: {  	_ = 	snop  }
0xc6: {  	[tilespmem:s25], [sflag:$0x4] =	stream.indirect_vreg.gather [hbm4b:s5+s2], $0x80, v4, vm0, $0xb8;
	[tilespmem:$0x18100] =	vst v63  }
0xc7: {  	_ = 	snop  }
0xc8: {  	[tilespmem:s26], [sflag:$0x4] =	stream.indirect_vreg.gather [hbm4b:s3+s2], $0x80, v3, vm0, $0xb8;
	[tilespmem:$0x18100] =	vst v63  }
0xc9: {  	_ = 	snop  }
0xca: {  	[tilespmem:s28], [sflag:$0x4] =	stream.indirect_vreg.gather [hbm4b:s4+s2], $0x80, v3, vm0, $0xb8;
	[tilespmem:$0x18100] =	vst v63  }
0xcb: {  	_ = 	snop  }
0xcc: {  	[tilespmem:s29], [sflag:$0x4] =	stream.indirect_vreg.gather [hbm4b:s5+s2], $0x80, v3, vm0, $0xb8;
	[tilespmem:$0x18100] =	vst v63  }
0xcd: {  	_ =	swait.ge [sflag:s30], $0xC000  }
0xce: {  	[sflag:s30] =	ssyncset.done $0x0  }
0xcf: {  	s11 =	rddreg [dreg:$0x4];
	[sflag:s30] =	ssyncadd.s32 $0xFFFF4000  }
0xd0: {  	[hbm4b:s11+s2] =	stream.linear.scatter [tilespmem:s8], [sflag:$0x5], $0xC000, $0x38;
	[tilespmem:$0x18100] =	vst v63  }
0xd1: {  	_ =	swait.ge [sflag:s31], $0xC000  }
0xd2: {  	[sflag:s31] =	ssyncset.done $0x0  }
0xd3: {  	[sflag:s31] =	ssyncadd.s32 $0xFFFF4000  }
0xd4: {  	_ =	swait.ge [sflag:s1], $0xC000  }
0xd5: {  	p0 =	sne.s32 s6, $0x1;
	[sflag:s1] =	ssyncset.done $0x0  }
.Ltmp0:
0xd6: {  	s12 =	rddreg [dreg:$0x5];
	[sflag:s1] =	ssyncadd.s32 $0xFFFF4000;
	(pc) =	sbr.rel @p0 .LBB2_1-.Ltmp0, $4  }
0xd7: {  	[hbm4b:s12+s2] =	stream.linear.scatter [tilespmem:s10], [sflag:$0x5], $0xC000, $0x38;
	[tilespmem:$0x18100] =	vst v63  }
0xd8: {  	_ =	swait.ge [sflag:s31], $0xC000  }
0xd9: {  	[sflag:s31] =	ssyncset.done $0x0  }
0xda: {  	s6 =	sadd.s32 $0xFFFFFFFF, s6;
	[sflag:s31] =	ssyncadd.s32 $0xFFFF4000  }
0xdb: {  	_ =	sfence.sel $0x180000  }
0xdc: {  	[bflag:$0x0] =	sbarrier.arrive $0xFFFF  }
0xdd: {  	_ =	strace $0x9000004A  }
0xde: {  	s0 =	stileid.u32;
	[bflag:$0x2] =	sbarrier.arrive $0xFFFF  }
0xdf: {  	p0 =	sne.s32 s0, $0x0;
	s0 =	rddreg [dreg:$0x1]  }
0xe0: {  	s0 =	sadd.s32 @!p0 $0x100000, s0  }
0xe1: {  	[sflag:s0] =	ssyncadd.tile.s32 @!p0 $0x1;
	_ =	shalt  }
.Lfunc_end2:
_tile_overlayer_lowered:
.L_overlay_start_2:
0xe2: {  	(tag) =	ssettag $0x2  }
0xe3: {  	s0 =	rddreg [dreg:$0x0];
	s2 =	stileid.u32  }
0xe4: {  	s1 =	rddreg [dreg:$0x1];
	p0 =	sne.s32 s2, $0x0  }
0xe5: {  	s3 =	rddreg [dreg:$0x2];
	[bflag:$0x3] =	sbarrier.arrive $0xFFFF;
	s2 =	simm.s32 @!p0 $0x1C05  }
0xe6: {  	[timem:s3], [sflag:s2] =	dma.local @!p0 [hbm:s0], s1  }
0xe7: {  	s0 =	simm.s32 @!p0 $0x5  }
0xe8: {  	_ =	swait.ge @!p0 [sflag:s0], s1  }
0xe9: {  	s1 =	ssub.s32 @!p0 $0x0, s1;
	[sflag:s0] =	ssyncset.done @!p0 $0x0  }
0xea: {  	[sflag:s0] =	ssyncadd.s32 @!p0 s1  }
0xeb: {  	[bflag:$0x3] =	sbarrier.arrive $0xFFFF  }
0xec: {  	_ =	shalt  }

</sc_bundles>
